<compile_context>
chip_gen: v7x
topology: tpu7x:2x2x1
jax: 0.10.2.dev20260603
libtpu: 0.0.44.dev20260713+nightly
codegen_flags: <defaults>
</compile_context>

<pallas_src>
import jax
import jax.numpy as jnp
from jax import lax
from jax.experimental import pallas as pl
from jax.experimental.pallas import tpu as pltpu
from jax.experimental.pallas import tpu_sc as plsc

_TH = 0.1
_INV_T = 10.0
_PEAKY_W = 0.5
_REPROJ_W = 1.0
_SCOREMAP_W = 0.5

_B = 2
_N = 256
_H = 128
_W = 128
_D = 200
_M = 400

_NUM_TILES = 32
_HN = _N // 2


def _lane_iota():
    return lax.iota(jnp.int32, 16)


def _sc_body(sim01_r, sim10_r, smap0_r, smap1_r, kp_r,
             s0_r, s1_r, ids0_r, ids1_r, dist_r,
             part_r,
             kpa_v, kpb_v, sa_v, sb_v, wx_v, wy_v,
             sidx_v, midx_v, sva_v, svb_v, mva_v, mvb_v,
             ids0_v, ids1_v, dist_v,
             out_v, sem_a, sem_b, sem_c, sem_d, sem_e, sem_f, sem_g):
    wid = lax.axis_index("c") * 16 + lax.axis_index("s")
    b = wid // 16
    p0 = (wid % 16) * 16
    is_reproj = (wid % 16) < 2
    b_r = b
    h_r = wid % 16

    zf16 = jnp.zeros((16,), jnp.float32)
    for r in range(8):
        out_v[pl.ds(r * 16, 16)] = zf16

    @pl.when(is_reproj)
    def _():
        pltpu.async_copy(dist_r.at[pl.ds(b_r * _N + h_r * _HN, _HN)], dist_v,
                         sem_e)
        pltpu.async_copy(ids0_r, ids0_v, sem_f)
        pltpu.async_copy(ids1_r, ids1_v, sem_g)

    kcp = (pltpu.async_copy(kp_r.at[b], kpa_v, sem_a),
           pltpu.async_copy(kp_r.at[2 + b], kpb_v, sem_b))
    scp = (pltpu.async_copy(s0_r.at[b], sa_v, sem_c),
           pltpu.async_copy(s1_r.at[b], sb_v, sem_d))
    nvec = p0 + _lane_iota()
    nv2 = nvec * 2
    gcp = []
    for c, kp_v in ((0, kpa_v), (1, kpb_v)):
        kcp[c].wait()
        scp[c].wait()
        kx = plsc.load_gather(kp_v, [nv2])
        ky = plsc.load_gather(kp_v, [nv2 + 1])
        x = (kx + 1.0) * (0.5 * (_W - 1))
        y = (ky + 1.0) * (0.5 * (_H - 1))
        x0 = x.astype(jnp.int32)
        y0 = y.astype(jnp.int32)
        wx_v[pl.ds(c * 16, 16)] = x - x0.astype(jnp.float32)
        wy_v[pl.ds(c * 16, 16)] = y - y0.astype(jnp.float32)
        x0c = jnp.clip(x0, 0, _W - 1)
        x1c = jnp.clip(x0 + 1, 0, _W - 1)
        y0c = jnp.clip(y0, 0, _H - 1)
        y1c = jnp.clip(y0 + 1, 0, _H - 1)
        base = (b * _N + nvec) * (_H * _W)
        row0 = base + y0c * _W
        row1 = base + y1c * _W
        sidx_v[pl.ds(c * 64 + 0, 16)] = row0 + x0c
        sidx_v[pl.ds(c * 64 + 16, 16)] = row0 + x1c
        sidx_v[pl.ds(c * 64 + 32, 16)] = row1 + x0c
        sidx_v[pl.ds(c * 64 + 48, 16)] = row1 + x1c
        mrow0 = b * (_H * _W) + y0c * _W
        mrow1 = b * (_H * _W) + y1c * _W
        midx_v[pl.ds(c * 64 + 0, 16)] = mrow0 + x0c
        midx_v[pl.ds(c * 64 + 16, 16)] = mrow0 + x1c
        midx_v[pl.ds(c * 64 + 32, 16)] = mrow1 + x0c
        midx_v[pl.ds(c * 64 + 48, 16)] = mrow1 + x1c
        if c == 0:
            gcp.append(pltpu.async_copy(sim01_r.at[sidx_v.at[pl.ds(0, 64)]],
                                        sva_v, sem_a))
            gcp.append(pltpu.async_copy(smap1_r.at[midx_v.at[pl.ds(0, 64)]],
                                        mva_v, sem_c))
        else:
            gcp.append(pltpu.async_copy(sim10_r.at[sidx_v.at[pl.ds(64, 64)]],
                                        svb_v, sem_b))
            gcp.append(pltpu.async_copy(smap0_r.at[midx_v.at[pl.ds(64, 64)]],
                                        mvb_v, sem_d))
    for c, sv_v, mv_v, sc_v in ((0, sva_v, mva_v, sa_v),
                                (1, svb_v, mvb_v, sb_v)):
        gcp[2 * c].wait()
        gcp[2 * c + 1].wait()
        wx1 = wx_v[pl.ds(c * 16, 16)]
        wy1 = wy_v[pl.ds(c * 16, 16)]
        wx0 = 1.0 - wx1
        wy0 = 1.0 - wy1
        w = (wy0 * wx0, wy0 * wx1, wy1 * wx0, wy1 * wx1)
        fs = jnp.zeros((16,), jnp.float32)
        sk = jnp.zeros((16,), jnp.float32)
        for k in range(4):
            sl = pl.ds(k * 16, 16)
            fs = fs + w[k] * jnp.exp((sv_v[sl] - 1.0) * _INV_T)
            sk = sk + w[k] * mv_v[sl]
        s = sk * sc_v[pl.ds(p0, 16)]
        out_v[pl.ds(c * 32, 16)] = (1.0 - fs) * s
        out_v[pl.ds(c * 32 + 16, 16)] = s

    @pl.when(is_reproj)
    def _():
        pltpu.make_async_copy(dist_r.at[pl.ds(b_r * _N + h_r * _HN, _HN)],
                              dist_v, sem_e).wait()
        pltpu.make_async_copy(ids0_r, ids0_v, sem_f).wait()
        pltpu.make_async_copy(ids1_r, ids1_v, sem_g).wait()
        bvec = jnp.full((16,), b_r, jnp.int32)
        row0 = h_r * _HN

        def rchunk(c, carry):
            rs, rc = carry
            lidx = c * 16 + _lane_iota()
            gidx = jnp.minimum(lidx, _D - 1)
            i0 = plsc.load_gather(ids0_v, [bvec, gidx])
            i1 = plsc.load_gather(ids1_v, [bvec, gidx])
            i0l = i0 - row0
            mine = (i0l >= 0) & (i0l < _HN)
            d = plsc.load_gather(dist_v, [jnp.clip(i0l, 0, _HN - 1), i1])
            s0g = plsc.load_gather(sa_v, [i0])
            s1g = plsc.load_gather(sb_v, [i1])
            ok = (s0g > _TH) & (s1g > _TH) & mine & (lidx < _D)
            vf = jnp.where(ok, 1.0, 0.0)
            return rs + d * vf, rc + vf

        rs, rc = lax.fori_loop(0, -(-_D // 16),
                               rchunk, (jnp.zeros((16,), jnp.float32),
                                        jnp.zeros((16,), jnp.float32)))
        out_v[pl.ds(64, 16)] = rs
        out_v[pl.ds(80, 16)] = rc

    pltpu.sync_copy(out_v, part_r.at[wid])


def _fin_body(part_ref, pred0_ref, disp0_ref, pred1_ref, disp1_ref, o_ref):
    p = part_ref[...]
    q = jnp.sum(p.reshape(2, 16, 128), axis=1)

    total = jnp.float32(0.0)
    for d in range(2):
        for g in range(2):
            num_g = jnp.sum(q[g, 32 * d:32 * d + 16])
            den_g = jnp.sum(q[g, 32 * d + 16:32 * d + 32])
            total = total + num_g * jnp.float32(_N) / den_g
    loss_scoremap = total / jnp.float32(_B * 2 * _N)

    rsum = jnp.sum(q[0, 64:80]) + jnp.sum(q[1, 64:80])
    rcnt = jnp.sum(q[0, 80:96]) + jnp.sum(q[1, 80:96])
    loss_reproj = rsum / jnp.maximum(rcnt, 1.0)

    def pk(pred, disp):
        vf = jnp.where(pred > _TH, 1.0, 0.0)
        return jnp.sum(disp * vf) / jnp.maximum(jnp.sum(vf), 1.0)

    loss_peaky = (pk(pred0_ref[...], disp0_ref[...]) +
                  pk(pred1_ref[...], disp1_ref[...])) / 2.0

    o_ref[0] = (_PEAKY_W * loss_peaky + _REPROJ_W * loss_reproj +
                _SCOREMAP_W * loss_scoremap)


@jax.jit
def _detector_loss(scores_map0, scores_map1, scores_pred0, scores_pred1,
                   dispersity0, dispersity1, dist_l1, ids0_d, ids1_d,
                   scores0, scores1, kpts01, kpts10, sim01, sim10):
    sim01_f = sim01.reshape(-1)
    sim10_f = sim10.reshape(-1)
    smap0_f = scores_map0.reshape(-1)
    smap1_f = scores_map1.reshape(-1)
    dist2 = dist_l1.reshape(_B * _N, _N)
    kp = jnp.stack([kpts01, kpts10]).reshape(4, 2 * _N)
    ids0 = ids0_d.astype(jnp.int32)
    ids1 = ids1_d.astype(jnp.int32)

    mesh = plsc.VectorSubcoreMesh(core_axis_name="c", subcore_axis_name="s")
    sc_fn = pl.kernel(
        _sc_body,
        out_type=jax.ShapeDtypeStruct((_NUM_TILES, 128), jnp.float32),
        mesh=mesh,
        compiler_params=pltpu.CompilerParams(needs_layout_passes=False),
        scratch_types=[
            pltpu.VMEM((2 * _N,), jnp.float32),
            pltpu.VMEM((2 * _N,), jnp.float32),
            pltpu.VMEM((_N,), jnp.float32),
            pltpu.VMEM((_N,), jnp.float32),
            pltpu.VMEM((2 * 16,), jnp.float32),
            pltpu.VMEM((2 * 16,), jnp.float32),
            pltpu.VMEM((128,), jnp.int32),
            pltpu.VMEM((128,), jnp.int32),
            pltpu.VMEM((64,), jnp.float32),
            pltpu.VMEM((64,), jnp.float32),
            pltpu.VMEM((64,), jnp.float32),
            pltpu.VMEM((64,), jnp.float32),
            pltpu.VMEM((_B, _D), jnp.int32),
            pltpu.VMEM((_B, _D), jnp.int32),
            pltpu.VMEM((_HN, _N), jnp.float32),
            pltpu.VMEM((128,), jnp.float32),
            pltpu.SemaphoreType.DMA,
            pltpu.SemaphoreType.DMA,
            pltpu.SemaphoreType.DMA,
            pltpu.SemaphoreType.DMA,
            pltpu.SemaphoreType.DMA,
            pltpu.SemaphoreType.DMA,
            pltpu.SemaphoreType.DMA,
        ],
    )
    partials = sc_fn(sim01_f, sim10_f, smap0_f, smap1_f, kp,
                     scores0, scores1, ids0, ids1, dist2)

    loss = pl.pallas_call(
        _fin_body,
        out_shape=jax.ShapeDtypeStruct((1,), jnp.float32),
        out_specs=pl.BlockSpec(memory_space=pltpu.SMEM),
    )(partials, scores_pred0, dispersity0, scores_pred1, dispersity1)
    return loss[0]


def kernel(scores_map0, scores_map1, scores_pred0, scores_pred1, dispersity0,
           dispersity1, dist_l1, ids0_d, ids1_d, scores0, scores1, kpts01,
           kpts10, sim01, sim10):
    assert sim01.shape == (_B, _N, _H, _W)
    assert ids0_d.shape == (_B, _D)
    assert scores_pred0.shape == (_B, _M)
    return _detector_loss(scores_map0, scores_map1, scores_pred0,
                          scores_pred1, dispersity0, dispersity1, dist_l1,
                          ids0_d, ids1_d, scores0, scores1, kpts01, kpts10,
                          sim01, sim10)

# --- scband reference (transcript-rebuilt; emitter-appended) ---
"""Pipeline reference for scband-detector-loss-15642270892886 (READ-ONLY COPY).

The authoritative reference and input builder live on the scoring server;
editing this copy changes nothing except your own understanding.
"""

import jax, jax.numpy as jnp
import numpy as np

TEMPERATURE = 0.1
SCORES_TH = 0.1
PEAKY_W = 0.5
REPROJ_W = 1.0
SCOREMAP_W = 0.5


def grid_sample_bilinear(img, pts):
    # img: [C, H, W]; pts: [N, 2] in [-1, 1] (x, y); align_corners=True, zeros padding
    C, H, W = img.shape
    x = (pts[:, 0] + 1.0) * 0.5 * (W - 1)
    y = (pts[:, 1] + 1.0) * 0.5 * (H - 1)
    x0 = jnp.floor(x)
    y0 = jnp.floor(y)
    x1 = x0 + 1.0
    y1 = y0 + 1.0
    wx1 = x - x0
    wy1 = y - y0
    wx0 = 1.0 - wx1
    wy0 = 1.0 - wy1
    x0i = jnp.clip(x0.astype(jnp.int32), 0, W - 1)
    x1i = jnp.clip(x1.astype(jnp.int32), 0, W - 1)
    y0i = jnp.clip(y0.astype(jnp.int32), 0, H - 1)
    y1i = jnp.clip(y1.astype(jnp.int32), 0, H - 1)
    v00 = img[:, y0i, x0i]
    v01 = img[:, y0i, x1i]
    v10 = img[:, y1i, x0i]
    v11 = img[:, y1i, x1i]
    return v00 * (wy0 * wx0) + v01 * (wy0 * wx1) + v10 * (wy1 * wx0) + v11 * (wy1 * wx1)


def setup_inputs(seed: int = 0) -> dict:
    key = jax.random.key(seed)
    ks = jax.random.split(key, 16)
    B, N, D, M, H, W = 2, 256, 200, 400, 128, 128
    inp = {}
    inp["scores_map0"] = jax.random.uniform(ks[0], (B, 1, H, W), dtype=jnp.float32)
    inp["scores_map1"] = jax.random.uniform(ks[1], (B, 1, H, W), dtype=jnp.float32)
    inp["scores_pred0"] = jax.random.uniform(ks[2], (B, M), dtype=jnp.float32)
    inp["scores_pred1"] = jax.random.uniform(ks[3], (B, M), dtype=jnp.float32)
    inp["dispersity0"] = jax.random.uniform(ks[4], (B, M), dtype=jnp.float32)
    inp["dispersity1"] = jax.random.uniform(ks[5], (B, M), dtype=jnp.float32)
    inp["dist_l1"] = jax.random.uniform(ks[6], (B, N, N), dtype=jnp.float32) * 4.0
    inp["ids0_d"] = jax.random.randint(ks[7], (B, D), 0, N)
    inp["ids1_d"] = jax.random.randint(ks[8], (B, D), 0, N)
    inp["scores0"] = jax.random.uniform(ks[9], (B, N), dtype=jnp.float32)
    inp["scores1"] = jax.random.uniform(ks[10], (B, N), dtype=jnp.float32)
    inp["kpts01"] = jax.random.uniform(ks[11], (B, N, 2), dtype=jnp.float32) * 1.9 - 0.95
    inp["kpts10"] = jax.random.uniform(ks[12], (B, N, 2), dtype=jnp.float32) * 1.9 - 0.95
    inp["sim01"] = jax.random.uniform(ks[13], (B, N, H, W), dtype=jnp.float32)
    inp["sim10"] = jax.random.uniform(ks[14], (B, N, H, W), dtype=jnp.float32)
    return inp


def _forward(scores_map0, scores_map1, scores_pred0, scores_pred1, dispersity0,
             dispersity1, dist_l1, scores0, scores1, kpts01, kpts10, sim01, sim10,
             ids0_d, ids1_d):
    B = scores_map0.shape[0]

    # ---- PeakyLoss ----
    def peaky(scores_pred, disp):
        s = jnp.float32(0.0)
        cnt = jnp.float32(0.0)
        for i in range(B):
            valid = (scores_pred[i] > SCORES_TH).astype(jnp.float32)
            s = s + (disp[i] * valid).sum()
            cnt = cnt + valid.sum()
        return s / jnp.maximum(cnt, 1.0)

    loss_peaky = (peaky(scores_pred0, dispersity0) + peaky(scores_pred1, dispersity1)) / 2.0

    # ---- ReprojectionLocLoss (norm=1) ----
    s = jnp.float32(0.0)
    cnt = jnp.float32(0.0)
    for i in range(B):
        d = dist_l1[i][ids0_d[i], ids1_d[i]]
        s0g = jax.lax.stop_gradient(scores0[i])[ids0_d[i]]
        s1g = jax.lax.stop_gradient(scores1[i])[ids1_d[i]]
        valid = ((s0g > SCORES_TH) & (s1g > SCORES_TH)).astype(jnp.float32)
        s = s + (d * valid).sum()
        cnt = cnt + valid.sum()
    loss_reproj = s / jnp.maximum(cnt, 1.0)

    # ---- ScoreMapRepLoss ----
    s = jnp.float32(0.0)
    cnt = 0.0
    for i in range(B):
        sk10 = grid_sample_bilinear(scores_map0[i], kpts10[i])[0]
        sk01 = grid_sample_bilinear(scores_map1[i], kpts01[i])[0]
        s0 = sk01 * scores0[i]
        s1 = sk10 * scores1[i]
        pmf01 = jnp.exp((jax.lax.stop_gradient(sim01[i]) - 1.0) / TEMPERATURE)
        pmf10 = jnp.exp((jax.lax.stop_gradient(sim10[i]) - 1.0) / TEMPERATURE)
        k01 = jax.lax.stop_gradient(kpts01[i])
        k10 = jax.lax.stop_gradient(kpts10[i])
        fs0 = jnp.diag(grid_sample_bilinear(pmf01, k01))
        fs1 = jnp.diag(grid_sample_bilinear(pmf10, k10))
        n = s0.shape[0]
        loss01 = (1.0 - fs0) * s0 * n / s0.sum()
        loss10 = (1.0 - fs1) * s1 * n / s1.sum()
        s = s + loss01.sum() + loss10.sum()
        cnt = cnt + 2.0 * n
    loss_scoremap = s / jnp.maximum(jnp.float32(cnt), 1.0)

    return PEAKY_W * loss_peaky + REPROJ_W * loss_reproj + SCOREMAP_W * loss_scoremap


def reference(scores_map0, scores_map1, scores_pred0, scores_pred1, dispersity0,
              dispersity1, dist_l1, ids0_d, ids1_d, scores0, scores1, kpts01,
              kpts10, sim01, sim10):
    return _forward(scores_map0, scores_map1, scores_pred0, scores_pred1,
                    dispersity0, dispersity1, dist_l1, scores0, scores1,
                    kpts01, kpts10, sim01, sim10, ids0_d, ids1_d)


if False:  # reference __main__ guard neutralized (emitter)
    out = reference(**setup_inputs())
    print(out)

if __name__ == "__main__":
    import jax
    _d = setup_inputs()
    print(jax.jit(kernel)(*tuple(_d.values())))

</pallas_src>

<mosaic_0001>
#map = affine_map<(d0, d1) -> (0)>
#map1 = affine_map<(d0, d1) -> (0, 0)>
module attributes {stable_mosaic.version = 14 : i64} {
  func.func @_sc_body(%arg0: i32, %arg1: i32, %arg2: memref<8388608xf32, #tpu.memory_space<hbm>>, %arg3: memref<8388608xf32, #tpu.memory_space<hbm>>, %arg4: memref<32768xf32, #tpu.memory_space<hbm>>, %arg5: memref<32768xf32, #tpu.memory_space<hbm>>, %arg6: memref<4x512xf32, #tpu.memory_space<hbm>>, %arg7: memref<2x256xf32, #tpu.memory_space<hbm>>, %arg8: memref<2x256xf32, #tpu.memory_space<hbm>>, %arg9: memref<2x200xi32, #tpu.memory_space<hbm>>, %arg10: memref<2x200xi32, #tpu.memory_space<hbm>>, %arg11: memref<512x256xf32, #tpu.memory_space<hbm>>, %arg12: memref<32x128xf32, #tpu.memory_space<hbm>>, %arg13: memref<512xf32, #tpu.memory_space<vmem>>, %arg14: memref<512xf32, #tpu.memory_space<vmem>>, %arg15: memref<256xf32, #tpu.memory_space<vmem>>, %arg16: memref<256xf32, #tpu.memory_space<vmem>>, %arg17: memref<32xf32, #tpu.memory_space<vmem>>, %arg18: memref<32xf32, #tpu.memory_space<vmem>>, %arg19: memref<128xi32, #tpu.memory_space<vmem>>, %arg20: memref<128xi32, #tpu.memory_space<vmem>>, %arg21: memref<64xf32, #tpu.memory_space<vmem>>, %arg22: memref<64xf32, #tpu.memory_space<vmem>>, %arg23: memref<64xf32, #tpu.memory_space<vmem>>, %arg24: memref<64xf32, #tpu.memory_space<vmem>>, %arg25: memref<2x200xi32, #tpu.memory_space<vmem>>, %arg26: memref<2x200xi32, #tpu.memory_space<vmem>>, %arg27: memref<128x256xf32, #tpu.memory_space<vmem>>, %arg28: memref<128xf32, #tpu.memory_space<vmem>>, %arg29: memref<!tpu.dma_semaphore, #tpu.memory_space<semaphore_mem>>, %arg30: memref<!tpu.dma_semaphore, #tpu.memory_space<semaphore_mem>>, %arg31: memref<!tpu.dma_semaphore, #tpu.memory_space<semaphore_mem>>, %arg32: memref<!tpu.dma_semaphore, #tpu.memory_space<semaphore_mem>>, %arg33: memref<!tpu.dma_semaphore, #tpu.memory_space<semaphore_mem>>, %arg34: memref<!tpu.dma_semaphore, #tpu.memory_space<semaphore_mem>>, %arg35: memref<!tpu.dma_semaphore, #tpu.memory_space<semaphore_mem>>) attributes {dimension_semantics = [#tpu.dimension_semantics<core_parallel>, #tpu.dimension_semantics<subcore_parallel>], iteration_bounds = array<i64: 2, 16>, scalar_prefetch = 0 : i64, scratch_operands = 23 : i64, tpu.core_type = #tpu.core_type<sc_vector_subcore>, window_params = [{transform_indices = #map}, {transform_indices = #map}, {transform_indices = #map}, {transform_indices = #map}, {transform_indices = #map1}, {transform_indices = #map1}, {transform_indices = #map1}, {transform_indices = #map1}, {transform_indices = #map1}, {transform_indices = #map1}, {transform_indices = #map1}]} {
    %mul3A = arith.constant 16 : i32
    %mul3A_0 = arith.muli %arg0, %mul3A : i32
    %add3A = arith.addi %mul3A_0, %arg1 : i32
    %jit3A = arith.constant 16 : i32
    %div3A = arith.divsi %add3A, %jit3A : i32
    %sign3A = arith.constant 0 : i32
    %sign3A_1 = arith.cmpi sgt, %add3A, %sign3A : i32
    %sign3A_2 = arith.extui %sign3A_1 : i1 to i32
    %sign3A_3 = arith.constant 0 : i32
    %sign3A_4 = arith.cmpi slt, %add3A, %sign3A_3 : i32
    %sign3A_5 = arith.extui %sign3A_4 : i1 to i32
    %sign3A_6 = arith.subi %sign3A_2, %sign3A_5 : i32
    %sign3A_7 = arith.constant 0 : i32
    %sign3A_8 = arith.cmpi sgt, %jit3A, %sign3A_7 : i32
    %sign3A_9 = arith.extui %sign3A_8 : i1 to i32
    %sign3A_10 = arith.constant 0 : i32
    %sign3A_11 = arith.cmpi slt, %jit3A, %sign3A_10 : i32
    %sign3A_12 = arith.extui %sign3A_11 : i1 to i32
    %sign3A_13 = arith.subi %sign3A_9, %sign3A_12 : i32
    %ne3A = arith.cmpi ne, %sign3A_6, %sign3A_13 : i32
    %rem3A = arith.remsi %add3A, %jit3A : i32
    %ne3A_14 = arith.constant 0 : i32
    %ne3A_15 = arith.cmpi ne, %rem3A, %ne3A_14 : i32
    %and3A = arith.andi %ne3A, %ne3A_15 : i1
    %sub3A = arith.constant 1 : i32
    %sub3A_16 = arith.subi %div3A, %sub3A : i32
    %select_n3A = arith.select %and3A, %sub3A_16, %div3A : i32
    %jit3A_17 = arith.constant 16 : i32
    %eq3A = arith.constant 0 : i32
    %eq3A_18 = arith.cmpi eq, %jit3A_17, %eq3A : i32
    %jit3A_19 = arith.constant 1 : i32
    %select_n3A_20 = arith.select %eq3A_18, %jit3A_19, %jit3A_17 : i32
    %rem3A_21 = arith.remsi %add3A, %select_n3A_20 : i32
    %ne3A_22 = arith.constant 0 : i32
    %ne3A_23 = arith.cmpi ne, %rem3A_21, %ne3A_22 : i32
    %lt3A = arith.constant 0 : i32
    %lt3A_24 = arith.cmpi slt, %rem3A_21, %lt3A : i32
    %lt3A_25 = arith.constant 0 : i32
    %lt3A_26 = arith.cmpi slt, %select_n3A_20, %lt3A_25 : i32
    %ne3A_27 = arith.xori %lt3A_24, %lt3A_26 : i1
    %and3A_28 = arith.andi %ne3A_27, %ne3A_23 : i1
    %add3A_29 = arith.addi %rem3A_21, %select_n3A_20 : i32
    %select_n3A_30 = arith.select %and3A_28, %add3A_29, %rem3A_21 : i32
    %mul3A_31 = arith.constant 16 : i32
    %mul3A_32 = arith.muli %select_n3A_30, %mul3A_31 : i32
    %jit3A_33 = arith.constant 16 : i32
    %eq3A_34 = arith.constant 0 : i32
    %eq3A_35 = arith.cmpi eq, %jit3A_33, %eq3A_34 : i32
    %jit3A_36 = arith.constant 1 : i32
    %select_n3A_37 = arith.select %eq3A_35, %jit3A_36, %jit3A_33 : i32
    %rem3A_38 = arith.remsi %add3A, %select_n3A_37 : i32
    %ne3A_39 = arith.constant 0 : i32
    %ne3A_40 = arith.cmpi ne, %rem3A_38, %ne3A_39 : i32
    %lt3A_41 = arith.constant 0 : i32
    %lt3A_42 = arith.cmpi slt, %rem3A_38, %lt3A_41 : i32
    %lt3A_43 = arith.constant 0 : i32
    %lt3A_44 = arith.cmpi slt, %select_n3A_37, %lt3A_43 : i32
    %ne3A_45 = arith.xori %lt3A_42, %lt3A_44 : i1
    %and3A_46 = arith.andi %ne3A_45, %ne3A_40 : i1
    %add3A_47 = arith.addi %rem3A_38, %select_n3A_37 : i32
    %select_n3A_48 = arith.select %and3A_46, %add3A_47, %rem3A_38 : i32
    %lt3A_49 = arith.constant 2 : i32
    %lt3A_50 = arith.cmpi slt, %select_n3A_48, %lt3A_49 : i32
    %jit3A_51 = arith.constant 16 : i32
    %eq3A_52 = arith.constant 0 : i32
    %eq3A_53 = arith.cmpi eq, %jit3A_51, %eq3A_52 : i32
    %jit3A_54 = arith.constant 1 : i32
    %select_n3A_55 = arith.select %eq3A_53, %jit3A_54, %jit3A_51 : i32
    %rem3A_56 = arith.remsi %add3A, %select_n3A_55 : i32
    %ne3A_57 = arith.constant 0 : i32
    %ne3A_58 = arith.cmpi ne, %rem3A_56, %ne3A_57 : i32
    %lt3A_59 = arith.constant 0 : i32
    %lt3A_60 = arith.cmpi slt, %rem3A_56, %lt3A_59 : i32
    %lt3A_61 = arith.constant 0 : i32
    %lt3A_62 = arith.cmpi slt, %select_n3A_55, %lt3A_61 : i32
    %ne3A_63 = arith.xori %lt3A_60, %lt3A_62 : i1
    %and3A_64 = arith.andi %ne3A_63, %ne3A_58 : i1
    %add3A_65 = arith.addi %rem3A_56, %select_n3A_55 : i32
    %select_n3A_66 = arith.select %and3A_64, %add3A_65, %rem3A_56 : i32
    %broadcast_in_dim3A = arith.constant 0.000000e+00 : f32
    %broadcast_in_dim3A_67 = vector.broadcast %broadcast_in_dim3A : f32 to vector<16xf32>
    %swap3A = arith.constant 0 : index
    %swap3A_68 = tpu.vector_load %arg28[%swap3A] {strides = array<i32>} : memref<128xf32, #tpu.memory_space<vmem>>, vector<16xf32>,
    tpu.vector_store %arg28[%swap3A], %broadcast_in_dim3A_67 {strides = array<i32>} : memref<128xf32, #tpu.memory_space<vmem>>, vector<16xf32>,
    %swap3A_69 = arith.constant 16 : index
    %swap3A_70 = tpu.vector_load %arg28[%swap3A_69] {strides = array<i32>} : memref<128xf32, #tpu.memory_space<vmem>>, vector<16xf32>,
    tpu.vector_store %arg28[%swap3A_69], %broadcast_in_dim3A_67 {strides = array<i32>} : memref<128xf32, #tpu.memory_space<vmem>>, vector<16xf32>,
    %swap3A_71 = arith.constant 32 : index
    %swap3A_72 = tpu.vector_load %arg28[%swap3A_71] {strides = array<i32>} : memref<128xf32, #tpu.memory_space<vmem>>, vector<16xf32>,
    tpu.vector_store %arg28[%swap3A_71], %broadcast_in_dim3A_67 {strides = array<i32>} : memref<128xf32, #tpu.memory_space<vmem>>, vector<16xf32>,
    %swap3A_73 = arith.constant 48 : index
    %swap3A_74 = tpu.vector_load %arg28[%swap3A_73] {strides = array<i32>} : memref<128xf32, #tpu.memory_space<vmem>>, vector<16xf32>,
    tpu.vector_store %arg28[%swap3A_73], %broadcast_in_dim3A_67 {strides = array<i32>} : memref<128xf32, #tpu.memory_space<vmem>>, vector<16xf32>,
    %swap3A_75 = arith.constant 64 : index
    %swap3A_76 = tpu.vector_load %arg28[%swap3A_75] {strides = array<i32>} : memref<128xf32, #tpu.memory_space<vmem>>, vector<16xf32>,
    tpu.vector_store %arg28[%swap3A_75], %broadcast_in_dim3A_67 {strides = array<i32>} : memref<128xf32, #tpu.memory_space<vmem>>, vector<16xf32>,
    %swap3A_77 = arith.constant 80 : index
    %swap3A_78 = tpu.vector_load %arg28[%swap3A_77] {strides = array<i32>} : memref<128xf32, #tpu.memory_space<vmem>>, vector<16xf32>,
    tpu.vector_store %arg28[%swap3A_77], %broadcast_in_dim3A_67 {strides = array<i32>} : memref<128xf32, #tpu.memory_space<vmem>>, vector<16xf32>,
    %swap3A_79 = arith.constant 96 : index
    %swap3A_80 = tpu.vector_load %arg28[%swap3A_79] {strides = array<i32>} : memref<128xf32, #tpu.memory_space<vmem>>, vector<16xf32>,
    tpu.vector_store %arg28[%swap3A_79], %broadcast_in_dim3A_67 {strides = array<i32>} : memref<128xf32, #tpu.memory_space<vmem>>, vector<16xf32>,
    %swap3A_81 = arith.constant 112 : index
    %swap3A_82 = tpu.vector_load %arg28[%swap3A_81] {strides = array<i32>} : memref<128xf32, #tpu.memory_space<vmem>>, vector<16xf32>,
    tpu.vector_store %arg28[%swap3A_81], %broadcast_in_dim3A_67 {strides = array<i32>} : memref<128xf32, #tpu.memory_space<vmem>>, vector<16xf32>,
    %convert_element_type3A = arith.extui %lt3A_50 : i1 to i32
    %cond3A = arith.constant 0 : i32
    %cond3A_83 = arith.cmpi ne, %convert_element_type3A, %cond3A : i32
    scf.if %cond3A_83 {
      %mul3A_565 = arith.constant 256 : i32
      %mul3A_566 = arith.muli %select_n3A, %mul3A_565 : i32
      %mul3A_567 = arith.constant 128 : i32
      %mul3A_568 = arith.muli %select_n3A_66, %mul3A_567 : i32
      %add3A_569 = arith.addi %mul3A_566, %mul3A_568 : i32
      %dma_start3A_570 = arith.constant 0 : i32
      %dma_start3A_571 = tpu.memref_slice %arg11[%add3A_569, %dma_start3A_570] : memref<512x256xf32, #tpu.memory_space<hbm>> -> memref<128x256xf32, #tpu.memory_space<hbm>>
      %dma_start3A_572 = arith.constant 0 : i32
      %dma_start3A_573 = tpu.memref_slice %arg11[%add3A_569, %dma_start3A_572] : memref<512x256xf32, #tpu.memory_space<hbm>> -> memref<128x256xf32, #tpu.memory_space<hbm>>
      tpu.enqueue_dma source(%dma_start3A_573 : memref<128x256xf32, #tpu.memory_space<hbm>>) target(%arg27 : memref<128x256xf32, #tpu.memory_space<vmem>>) target_semaphore(%arg33 : memref<!tpu.dma_semaphore, #tpu.memory_space<semaphore_mem>>)
      tpu.enqueue_dma source(%arg9 : memref<2x200xi32, #tpu.memory_space<hbm>>) target(%arg25 : memref<2x200xi32, #tpu.memory_space<vmem>>) target_semaphore(%arg34 : memref<!tpu.dma_semaphore, #tpu.memory_space<semaphore_mem>>)
      tpu.enqueue_dma source(%arg10 : memref<2x200xi32, #tpu.memory_space<hbm>>) target(%arg26 : memref<2x200xi32, #tpu.memory_space<vmem>>) target_semaphore(%arg35 : memref<!tpu.dma_semaphore, #tpu.memory_space<semaphore_mem>>)
    } else {
    }
    %dma_start3A = arith.constant 0 : i32
    %dma_start3A_84 = tpu.memref_slice %arg6[%select_n3A, %dma_start3A] : memref<4x512xf32, #tpu.memory_space<hbm>> -> memref<1x512xf32, #tpu.memory_space<hbm>>
    %dma_start3A_85 = tpu.memref_squeeze %dma_start3A_84 : memref<1x512xf32, #tpu.memory_space<hbm>> -> memref<512xf32, #tpu.memory_space<hbm>>
    %dma_start3A_86 = arith.constant 0 : i32
    %dma_start3A_87 = tpu.memref_slice %arg6[%select_n3A, %dma_start3A_86] : memref<4x512xf32, #tpu.memory_space<hbm>> -> memref<1x512xf32, #tpu.memory_space<hbm>>
    %dma_start3A_88 = tpu.memref_squeeze %dma_start3A_87 : memref<1x512xf32, #tpu.memory_space<hbm>> -> memref<512xf32, #tpu.memory_space<hbm>>
    tpu.enqueue_dma source(%dma_start3A_88 : memref<512xf32, #tpu.memory_space<hbm>>) target(%arg13 : memref<512xf32, #tpu.memory_space<vmem>>) target_semaphore(%arg29 : memref<!tpu.dma_semaphore, #tpu.memory_space<semaphore_mem>>)
    %add3A_89 = arith.constant 2 : i32
    %add3A_90 = arith.addi %add3A_89, %select_n3A : i32
    %dma_start3A_91 = arith.constant 0 : i32
    %dma_start3A_92 = tpu.memref_slice %arg6[%add3A_90, %dma_start3A_91] : memref<4x512xf32, #tpu.memory_space<hbm>> -> memref<1x512xf32, #tpu.memory_space<hbm>>
    %dma_start3A_93 = tpu.memref_squeeze %dma_start3A_92 : memref<1x512xf32, #tpu.memory_space<hbm>> -> memref<512xf32, #tpu.memory_space<hbm>>
    %dma_start3A_94 = arith.constant 0 : i32
    %dma_start3A_95 = tpu.memref_slice %arg6[%add3A_90, %dma_start3A_94] : memref<4x512xf32, #tpu.memory_space<hbm>> -> memref<1x512xf32, #tpu.memory_space<hbm>>
    %dma_start3A_96 = tpu.memref_squeeze %dma_start3A_95 : memref<1x512xf32, #tpu.memory_space<hbm>> -> memref<512xf32, #tpu.memory_space<hbm>>
    tpu.enqueue_dma source(%dma_start3A_96 : memref<512xf32, #tpu.memory_space<hbm>>) target(%arg14 : memref<512xf32, #tpu.memory_space<vmem>>) target_semaphore(%arg30 : memref<!tpu.dma_semaphore, #tpu.memory_space<semaphore_mem>>)
    %dma_start3A_97 = arith.constant 0 : i32
    %dma_start3A_98 = tpu.memref_slice %arg7[%select_n3A, %dma_start3A_97] : memref<2x256xf32, #tpu.memory_space<hbm>> -> memref<1x256xf32, #tpu.memory_space<hbm>>
    %dma_start3A_99 = tpu.memref_squeeze %dma_start3A_98 : memref<1x256xf32, #tpu.memory_space<hbm>> -> memref<256xf32, #tpu.memory_space<hbm>>
    %dma_start3A_100 = arith.constant 0 : i32
    %dma_start3A_101 = tpu.memref_slice %arg7[%select_n3A, %dma_start3A_100] : memref<2x256xf32, #tpu.memory_space<hbm>> -> memref<1x256xf32, #tpu.memory_space<hbm>>
    %dma_start3A_102 = tpu.memref_squeeze %dma_start3A_101 : memref<1x256xf32, #tpu.memory_space<hbm>> -> memref<256xf32, #tpu.memory_space<hbm>>
    tpu.enqueue_dma source(%dma_start3A_102 : memref<256xf32, #tpu.memory_space<hbm>>) target(%arg15 : memref<256xf32, #tpu.memory_space<vmem>>) target_semaphore(%arg31 : memref<!tpu.dma_semaphore, #tpu.memory_space<semaphore_mem>>)
    %dma_start3A_103 = arith.constant 0 : i32
    %dma_start3A_104 = tpu.memref_slice %arg8[%select_n3A, %dma_start3A_103] : memref<2x256xf32, #tpu.memory_space<hbm>> -> memref<1x256xf32, #tpu.memory_space<hbm>>
    %dma_start3A_105 = tpu.memref_squeeze %dma_start3A_104 : memref<1x256xf32, #tpu.memory_space<hbm>> -> memref<256xf32, #tpu.memory_space<hbm>>
    %dma_start3A_106 = arith.constant 0 : i32
    %dma_start3A_107 = tpu.memref_slice %arg8[%select_n3A, %dma_start3A_106] : memref<2x256xf32, #tpu.memory_space<hbm>> -> memref<1x256xf32, #tpu.memory_space<hbm>>
    %dma_start3A_108 = tpu.memref_squeeze %dma_start3A_107 : memref<1x256xf32, #tpu.memory_space<hbm>> -> memref<256xf32, #tpu.memory_space<hbm>>
    tpu.enqueue_dma source(%dma_start3A_108 : memref<256xf32, #tpu.memory_space<hbm>>) target(%arg16 : memref<256xf32, #tpu.memory_space<vmem>>) target_semaphore(%arg32 : memref<!tpu.dma_semaphore, #tpu.memory_space<semaphore_mem>>)
    %iota3A = tpu.iota {dimensions = array<i32: 0>} : vector<16xi32>
    %add3A_109 = vector.broadcast %mul3A_32 : i32 to vector<16xi32>
    %add3A_110 = arith.addi %add3A_109, %iota3A : vector<16xi32>
    %mul3A_111 = arith.constant 2 : i32
    %mul3A_112 = vector.broadcast %mul3A_111 : i32 to vector<16xi32>
    %mul3A_113 = arith.muli %add3A_110, %mul3A_112 : vector<16xi32>
    %dma_wait3A = arith.constant 0 : i32
    %dma_wait3A_114 = tpu.memref_slice %arg6[%select_n3A, %dma_wait3A] : memref<4x512xf32, #tpu.memory_space<hbm>> -> memref<1x512xf32, #tpu.memory_space<hbm>>
    %dma_wait3A_115 = tpu.memref_squeeze %dma_wait3A_114 : memref<1x512xf32, #tpu.memory_space<hbm>> -> memref<512xf32, #tpu.memory_space<hbm>>
    %dma_wait3A_116 = arith.constant 0 : i32
    %dma_wait3A_117 = tpu.memref_slice %arg6[%select_n3A, %dma_wait3A_116] : memref<4x512xf32, #tpu.memory_space<hbm>> -> memref<1x512xf32, #tpu.memory_space<hbm>>
    %dma_wait3A_118 = tpu.memref_squeeze %dma_wait3A_117 : memref<1x512xf32, #tpu.memory_space<hbm>> -> memref<512xf32, #tpu.memory_space<hbm>>
    tpu.wait_dma2 semaphore(%arg29 : memref<!tpu.dma_semaphore, #tpu.memory_space<semaphore_mem>>) src(%dma_wait3A_118 : memref<512xf32, #tpu.memory_space<hbm>>) dst(%arg13 : memref<512xf32, #tpu.memory_space<vmem>>)
    %dma_wait3A_119 = arith.constant 0 : i32
    %dma_wait3A_120 = tpu.memref_slice %arg7[%select_n3A, %dma_wait3A_119] : memref<2x256xf32, #tpu.memory_space<hbm>> -> memref<1x256xf32, #tpu.memory_space<hbm>>
    %dma_wait3A_121 = tpu.memref_squeeze %dma_wait3A_120 : memref<1x256xf32, #tpu.memory_space<hbm>> -> memref<256xf32, #tpu.memory_space<hbm>>
    %dma_wait3A_122 = arith.constant 0 : i32
    %dma_wait3A_123 = tpu.memref_slice %arg7[%select_n3A, %dma_wait3A_122] : memref<2x256xf32, #tpu.memory_space<hbm>> -> memref<1x256xf32, #tpu.memory_space<hbm>>
    %dma_wait3A_124 = tpu.memref_squeeze %dma_wait3A_123 : memref<1x256xf32, #tpu.memory_space<hbm>> -> memref<256xf32, #tpu.memory_space<hbm>>
    tpu.wait_dma2 semaphore(%arg31 : memref<!tpu.dma_semaphore, #tpu.memory_space<semaphore_mem>>) src(%dma_wait3A_124 : memref<256xf32, #tpu.memory_space<hbm>>) dst(%arg15 : memref<256xf32, #tpu.memory_space<vmem>>)
    %gather3A = tpu.vector_load_idx %arg13[%mul3A_113] : memref<512xf32, #tpu.memory_space<vmem>>[vector<16xi32>], vector<16xf32>,
    %add3A_125 = arith.constant 1 : i32
    %add3A_126 = vector.broadcast %add3A_125 : i32 to vector<16xi32>
    %add3A_127 = arith.addi %mul3A_113, %add3A_126 : vector<16xi32>
    %gather3A_128 = tpu.vector_load_idx %arg13[%add3A_127] : memref<512xf32, #tpu.memory_space<vmem>>[vector<16xi32>], vector<16xf32>,
    %add3A_129 = arith.constant 1.000000e+00 : f32
    %add3A_130 = vector.broadcast %add3A_129 : f32 to vector<16xf32>
    %add3A_131 = arith.addf %gather3A, %add3A_130 : vector<16xf32>
    %mul3A_132 = arith.constant 6.350000e+01 : f32
    %mul3A_133 = vector.broadcast %mul3A_132 : f32 to vector<16xf32>
    %mul3A_134 = arith.mulf %add3A_131, %mul3A_133 : vector<16xf32>
    %add3A_135 = arith.constant 1.000000e+00 : f32
    %add3A_136 = vector.broadcast %add3A_135 : f32 to vector<16xf32>
    %add3A_137 = arith.addf %gather3A_128, %add3A_136 : vector<16xf32>
    %mul3A_138 = arith.constant 6.350000e+01 : f32
    %mul3A_139 = vector.broadcast %mul3A_138 : f32 to vector<16xf32>
    %mul3A_140 = arith.mulf %add3A_137, %mul3A_139 : vector<16xf32>
    %convert_element_type3A_141 = arith.fptosi %mul3A_134 : vector<16xf32> to vector<16xi32>
    %convert_element_type3A_142 = arith.fptosi %mul3A_140 : vector<16xf32> to vector<16xi32>
    %convert_element_type3A_143 = arith.sitofp %convert_element_type3A_141 : vector<16xi32> to vector<16xf32>
    %sub3A_144 = arith.subf %mul3A_134, %convert_element_type3A_143 : vector<16xf32>
    %swap3A_145 = arith.constant 0 : index
    %swap3A_146 = tpu.vector_load %arg17[%swap3A_145] {strides = array<i32>} : memref<32xf32, #tpu.memory_space<vmem>>, vector<16xf32>,
    tpu.vector_store %arg17[%swap3A_145], %sub3A_144 {strides = array<i32>} : memref<32xf32, #tpu.memory_space<vmem>>, vector<16xf32>,
    %convert_element_type3A_147 = arith.sitofp %convert_element_type3A_142 : vector<16xi32> to vector<16xf32>
    %sub3A_148 = arith.subf %mul3A_140, %convert_element_type3A_147 : vector<16xf32>
    %swap3A_149 = arith.constant 0 : index
    %swap3A_150 = tpu.vector_load %arg18[%swap3A_149] {strides = array<i32>} : memref<32xf32, #tpu.memory_space<vmem>>, vector<16xf32>,
    tpu.vector_store %arg18[%swap3A_149], %sub3A_148 {strides = array<i32>} : memref<32xf32, #tpu.memory_space<vmem>>, vector<16xf32>,
    %jit3A_151 = arith.constant 0 : i32
    %jit3A_152 = arith.constant 127 : i32
    %max3A = vector.broadcast %jit3A_151 : i32 to vector<16xi32>
    %max3A_153 = arith.maxsi %max3A, %convert_element_type3A_141 : vector<16xi32>
    %min3A = vector.broadcast %jit3A_152 : i32 to vector<16xi32>
    %min3A_154 = arith.minsi %min3A, %max3A_153 : vector<16xi32>
    %add3A_155 = arith.constant 1 : i32
    %add3A_156 = vector.broadcast %add3A_155 : i32 to vector<16xi32>
    %add3A_157 = arith.addi %convert_element_type3A_141, %add3A_156 : vector<16xi32>
    %jit3A_158 = arith.constant 0 : i32
    %jit3A_159 = arith.constant 127 : i32
    %max3A_160 = vector.broadcast %jit3A_158 : i32 to vector<16xi32>
    %max3A_161 = arith.maxsi %max3A_160, %add3A_157 : vector<16xi32>
    %min3A_162 = vector.broadcast %jit3A_159 : i32 to vector<16xi32>
    %min3A_163 = arith.minsi %min3A_162, %max3A_161 : vector<16xi32>
    %jit3A_164 = arith.constant 0 : i32
    %jit3A_165 = arith.constant 127 : i32
    %max3A_166 = vector.broadcast %jit3A_164 : i32 to vector<16xi32>
    %max3A_167 = arith.maxsi %max3A_166, %convert_element_type3A_142 : vector<16xi32>
    %min3A_168 = vector.broadcast %jit3A_165 : i32 to vector<16xi32>
    %min3A_169 = arith.minsi %min3A_168, %max3A_167 : vector<16xi32>
    %add3A_170 = arith.constant 1 : i32
    %add3A_171 = vector.broadcast %add3A_170 : i32 to vector<16xi32>
    %add3A_172 = arith.addi %convert_element_type3A_142, %add3A_171 : vector<16xi32>
    %jit3A_173 = arith.constant 0 : i32
    %jit3A_174 = arith.constant 127 : i32
    %max3A_175 = vector.broadcast %jit3A_173 : i32 to vector<16xi32>
    %max3A_176 = arith.maxsi %max3A_175, %add3A_172 : vector<16xi32>
    %min3A_177 = vector.broadcast %jit3A_174 : i32 to vector<16xi32>
    %min3A_178 = arith.minsi %min3A_177, %max3A_176 : vector<16xi32>
    %mul3A_179 = arith.constant 256 : i32
    %mul3A_180 = arith.muli %select_n3A, %mul3A_179 : i32
    %add3A_181 = vector.broadcast %mul3A_180 : i32 to vector<16xi32>
    %add3A_182 = arith.addi %add3A_181, %add3A_110 : vector<16xi32>
    %mul3A_183 = arith.constant 16384 : i32
    %mul3A_184 = vector.broadcast %mul3A_183 : i32 to vector<16xi32>
    %mul3A_185 = arith.muli %add3A_182, %mul3A_184 : vector<16xi32>
    %mul3A_186 = arith.constant 128 : i32
    %mul3A_187 = vector.broadcast %mul3A_186 : i32 to vector<16xi32>
    %mul3A_188 = arith.muli %min3A_169, %mul3A_187 : vector<16xi32>
    %add3A_189 = arith.addi %mul3A_185, %mul3A_188 : vector<16xi32>
    %mul3A_190 = arith.constant 128 : i32
    %mul3A_191 = vector.broadcast %mul3A_190 : i32 to vector<16xi32>
    %mul3A_192 = arith.muli %min3A_178, %mul3A_191 : vector<16xi32>
    %add3A_193 = arith.addi %mul3A_185, %mul3A_192 : vector<16xi32>
    %add3A_194 = arith.addi %add3A_189, %min3A_154 : vector<16xi32>
    %swap3A_195 = arith.constant 0 : index
    %swap3A_196 = tpu.vector_load %arg19[%swap3A_195] {strides = array<i32>} : memref<128xi32, #tpu.memory_space<vmem>>, vector<16xi32>,
    tpu.vector_store %arg19[%swap3A_195], %add3A_194 {strides = array<i32>} : memref<128xi32, #tpu.memory_space<vmem>>, vector<16xi32>,
    %add3A_197 = arith.addi %add3A_189, %min3A_163 : vector<16xi32>
    %swap3A_198 = arith.constant 16 : index
    %swap3A_199 = tpu.vector_load %arg19[%swap3A_198] {strides = array<i32>} : memref<128xi32, #tpu.memory_space<vmem>>, vector<16xi32>,
    tpu.vector_store %arg19[%swap3A_198], %add3A_197 {strides = array<i32>} : memref<128xi32, #tpu.memory_space<vmem>>, vector<16xi32>,
    %add3A_200 = arith.addi %add3A_193, %min3A_154 : vector<16xi32>
    %swap3A_201 = arith.constant 32 : index
    %swap3A_202 = tpu.vector_load %arg19[%swap3A_201] {strides = array<i32>} : memref<128xi32, #tpu.memory_space<vmem>>, vector<16xi32>,
    tpu.vector_store %arg19[%swap3A_201], %add3A_200 {strides = array<i32>} : memref<128xi32, #tpu.memory_space<vmem>>, vector<16xi32>,
    %add3A_203 = arith.addi %add3A_193, %min3A_163 : vector<16xi32>
    %swap3A_204 = arith.constant 48 : index
    %swap3A_205 = tpu.vector_load %arg19[%swap3A_204] {strides = array<i32>} : memref<128xi32, #tpu.memory_space<vmem>>, vector<16xi32>,
    tpu.vector_store %arg19[%swap3A_204], %add3A_203 {strides = array<i32>} : memref<128xi32, #tpu.memory_space<vmem>>, vector<16xi32>,
    %mul3A_206 = arith.constant 16384 : i32
    %mul3A_207 = arith.muli %select_n3A, %mul3A_206 : i32
    %mul3A_208 = arith.constant 128 : i32
    %mul3A_209 = vector.broadcast %mul3A_208 : i32 to vector<16xi32>
    %mul3A_210 = arith.muli %min3A_169, %mul3A_209 : vector<16xi32>
    %add3A_211 = vector.broadcast %mul3A_207 : i32 to vector<16xi32>
    %add3A_212 = arith.addi %add3A_211, %mul3A_210 : vector<16xi32>
    %mul3A_213 = arith.constant 16384 : i32
    %mul3A_214 = arith.muli %select_n3A, %mul3A_213 : i32
    %mul3A_215 = arith.constant 128 : i32
    %mul3A_216 = vector.broadcast %mul3A_215 : i32 to vector<16xi32>
    %mul3A_217 = arith.muli %min3A_178, %mul3A_216 : vector<16xi32>
    %add3A_218 = vector.broadcast %mul3A_214 : i32 to vector<16xi32>
    %add3A_219 = arith.addi %add3A_218, %mul3A_217 : vector<16xi32>
    %add3A_220 = arith.addi %add3A_212, %min3A_154 : vector<16xi32>
    %swap3A_221 = arith.constant 0 : index
    %swap3A_222 = tpu.vector_load %arg20[%swap3A_221] {strides = array<i32>} : memref<128xi32, #tpu.memory_space<vmem>>, vector<16xi32>,
    tpu.vector_store %arg20[%swap3A_221], %add3A_220 {strides = array<i32>} : memref<128xi32, #tpu.memory_space<vmem>>, vector<16xi32>,
    %add3A_223 = arith.addi %add3A_212, %min3A_163 : vector<16xi32>
    %swap3A_224 = arith.constant 16 : index
    %swap3A_225 = tpu.vector_load %arg20[%swap3A_224] {strides = array<i32>} : memref<128xi32, #tpu.memory_space<vmem>>, vector<16xi32>,
    tpu.vector_store %arg20[%swap3A_224], %add3A_223 {strides = array<i32>} : memref<128xi32, #tpu.memory_space<vmem>>, vector<16xi32>,
    %add3A_226 = arith.addi %add3A_219, %min3A_154 : vector<16xi32>
    %swap3A_227 = arith.constant 32 : index
    %swap3A_228 = tpu.vector_load %arg20[%swap3A_227] {strides = array<i32>} : memref<128xi32, #tpu.memory_space<vmem>>, vector<16xi32>,
    tpu.vector_store %arg20[%swap3A_227], %add3A_226 {strides = array<i32>} : memref<128xi32, #tpu.memory_space<vmem>>, vector<16xi32>,
    %add3A_229 = arith.addi %add3A_219, %min3A_163 : vector<16xi32>
    %swap3A_230 = arith.constant 48 : index
    %swap3A_231 = tpu.vector_load %arg20[%swap3A_230] {strides = array<i32>} : memref<128xi32, #tpu.memory_space<vmem>>, vector<16xi32>,
    tpu.vector_store %arg20[%swap3A_230], %add3A_229 {strides = array<i32>} : memref<128xi32, #tpu.memory_space<vmem>>, vector<16xi32>,
    %dma_start3A_232 = arith.constant 0 : i32
    %dma_start3A_233 = tpu.memref_slice %arg19[%dma_start3A_232] : memref<128xi32, #tpu.memory_space<vmem>> -> memref<64xi32, #tpu.memory_space<vmem>>
    %dma_start3A_234 = arith.constant 0 : i32
    %dma_start3A_235 = tpu.memref_slice %arg2[%dma_start3A_234] : memref<8388608xf32, #tpu.memory_space<hbm>> -> memref<8388608xf32, #tpu.memory_space<hbm>>
    tpu.enqueue_indirect_dma source(%dma_start3A_235 : memref<8388608xf32, #tpu.memory_space<hbm>>) target(%arg21 : memref<64xf32, #tpu.memory_space<vmem>>) offsets(%dma_start3A_233 : memref<64xi32, #tpu.memory_space<vmem>>) semaphore(%arg29 : memref<!tpu.dma_semaphore, #tpu.memory_space<semaphore_mem>>)
    %dma_start3A_236 = arith.constant 0 : i32
    %dma_start3A_237 = tpu.memref_slice %arg20[%dma_start3A_236] : memref<128xi32, #tpu.memory_space<vmem>> -> memref<64xi32, #tpu.memory_space<vmem>>
    %dma_start3A_238 = arith.constant 0 : i32
    %dma_start3A_239 = tpu.memref_slice %arg5[%dma_start3A_238] : memref<32768xf32, #tpu.memory_space<hbm>> -> memref<32768xf32, #tpu.memory_space<hbm>>
    tpu.enqueue_indirect_dma source(%dma_start3A_239 : memref<32768xf32, #tpu.memory_space<hbm>>) target(%arg23 : memref<64xf32, #tpu.memory_space<vmem>>) offsets(%dma_start3A_237 : memref<64xi32, #tpu.memory_space<vmem>>) semaphore(%arg31 : memref<!tpu.dma_semaphore, #tpu.memory_space<semaphore_mem>>)
    %dma_wait3A_240 = arith.constant 0 : i32
    %dma_wait3A_241 = tpu.memref_slice %arg6[%add3A_90, %dma_wait3A_240] : memref<4x512xf32, #tpu.memory_space<hbm>> -> memref<1x512xf32, #tpu.memory_space<hbm>>
    %dma_wait3A_242 = tpu.memref_squeeze %dma_wait3A_241 : memref<1x512xf32, #tpu.memory_space<hbm>> -> memref<512xf32, #tpu.memory_space<hbm>>
    %dma_wait3A_243 = arith.constant 0 : i32
    %dma_wait3A_244 = tpu.memref_slice %arg6[%add3A_90, %dma_wait3A_243] : memref<4x512xf32, #tpu.memory_space<hbm>> -> memref<1x512xf32, #tpu.memory_space<hbm>>
    %dma_wait3A_245 = tpu.memref_squeeze %dma_wait3A_244 : memref<1x512xf32, #tpu.memory_space<hbm>> -> memref<512xf32, #tpu.memory_space<hbm>>
    tpu.wait_dma2 semaphore(%arg30 : memref<!tpu.dma_semaphore, #tpu.memory_space<semaphore_mem>>) src(%dma_wait3A_245 : memref<512xf32, #tpu.memory_space<hbm>>) dst(%arg14 : memref<512xf32, #tpu.memory_space<vmem>>)
    %dma_wait3A_246 = arith.constant 0 : i32
    %dma_wait3A_247 = tpu.memref_slice %arg8[%select_n3A, %dma_wait3A_246] : memref<2x256xf32, #tpu.memory_space<hbm>> -> memref<1x256xf32, #tpu.memory_space<hbm>>
    %dma_wait3A_248 = tpu.memref_squeeze %dma_wait3A_247 : memref<1x256xf32, #tpu.memory_space<hbm>> -> memref<256xf32, #tpu.memory_space<hbm>>
    %dma_wait3A_249 = arith.constant 0 : i32
    %dma_wait3A_250 = tpu.memref_slice %arg8[%select_n3A, %dma_wait3A_249] : memref<2x256xf32, #tpu.memory_space<hbm>> -> memref<1x256xf32, #tpu.memory_space<hbm>>
    %dma_wait3A_251 = tpu.memref_squeeze %dma_wait3A_250 : memref<1x256xf32, #tpu.memory_space<hbm>> -> memref<256xf32, #tpu.memory_space<hbm>>
    tpu.wait_dma2 semaphore(%arg32 : memref<!tpu.dma_semaphore, #tpu.memory_space<semaphore_mem>>) src(%dma_wait3A_251 : memref<256xf32, #tpu.memory_space<hbm>>) dst(%arg16 : memref<256xf32, #tpu.memory_space<vmem>>)
    %gather3A_252 = tpu.vector_load_idx %arg14[%mul3A_113] : memref<512xf32, #tpu.memory_space<vmem>>[vector<16xi32>], vector<16xf32>,
    %add3A_253 = arith.constant 1 : i32
    %add3A_254 = vector.broadcast %add3A_253 : i32 to vector<16xi32>
    %add3A_255 = arith.addi %mul3A_113, %add3A_254 : vector<16xi32>
    %gather3A_256 = tpu.vector_load_idx %arg14[%add3A_255] : memref<512xf32, #tpu.memory_space<vmem>>[vector<16xi32>], vector<16xf32>,
    %add3A_257 = arith.constant 1.000000e+00 : f32
    %add3A_258 = vector.broadcast %add3A_257 : f32 to vector<16xf32>
    %add3A_259 = arith.addf %gather3A_252, %add3A_258 : vector<16xf32>
    %mul3A_260 = arith.constant 6.350000e+01 : f32
    %mul3A_261 = vector.broadcast %mul3A_260 : f32 to vector<16xf32>
    %mul3A_262 = arith.mulf %add3A_259, %mul3A_261 : vector<16xf32>
    %add3A_263 = arith.constant 1.000000e+00 : f32
    %add3A_264 = vector.broadcast %add3A_263 : f32 to vector<16xf32>
    %add3A_265 = arith.addf %gather3A_256, %add3A_264 : vector<16xf32>
    %mul3A_266 = arith.constant 6.350000e+01 : f32
    %mul3A_267 = vector.broadcast %mul3A_266 : f32 to vector<16xf32>
    %mul3A_268 = arith.mulf %add3A_265, %mul3A_267 : vector<16xf32>
    %convert_element_type3A_269 = arith.fptosi %mul3A_262 : vector<16xf32> to vector<16xi32>
    %convert_element_type3A_270 = arith.fptosi %mul3A_268 : vector<16xf32> to vector<16xi32>
    %convert_element_type3A_271 = arith.sitofp %convert_element_type3A_269 : vector<16xi32> to vector<16xf32>
    %sub3A_272 = arith.subf %mul3A_262, %convert_element_type3A_271 : vector<16xf32>
    %swap3A_273 = arith.constant 16 : index
    %swap3A_274 = tpu.vector_load %arg17[%swap3A_273] {strides = array<i32>} : memref<32xf32, #tpu.memory_space<vmem>>, vector<16xf32>,
    tpu.vector_store %arg17[%swap3A_273], %sub3A_272 {strides = array<i32>} : memref<32xf32, #tpu.memory_space<vmem>>, vector<16xf32>,
    %convert_element_type3A_275 = arith.sitofp %convert_element_type3A_270 : vector<16xi32> to vector<16xf32>
    %sub3A_276 = arith.subf %mul3A_268, %convert_element_type3A_275 : vector<16xf32>
    %swap3A_277 = arith.constant 16 : index
    %swap3A_278 = tpu.vector_load %arg18[%swap3A_277] {strides = array<i32>} : memref<32xf32, #tpu.memory_space<vmem>>, vector<16xf32>,
    tpu.vector_store %arg18[%swap3A_277], %sub3A_276 {strides = array<i32>} : memref<32xf32, #tpu.memory_space<vmem>>, vector<16xf32>,
    %jit3A_279 = arith.constant 0 : i32
    %jit3A_280 = arith.constant 127 : i32
    %max3A_281 = vector.broadcast %jit3A_279 : i32 to vector<16xi32>
    %max3A_282 = arith.maxsi %max3A_281, %convert_element_type3A_269 : vector<16xi32>
    %min3A_283 = vector.broadcast %jit3A_280 : i32 to vector<16xi32>
    %min3A_284 = arith.minsi %min3A_283, %max3A_282 : vector<16xi32>
    %add3A_285 = arith.constant 1 : i32
    %add3A_286 = vector.broadcast %add3A_285 : i32 to vector<16xi32>
    %add3A_287 = arith.addi %convert_element_type3A_269, %add3A_286 : vector<16xi32>
    %jit3A_288 = arith.constant 0 : i32
    %jit3A_289 = arith.constant 127 : i32
    %max3A_290 = vector.broadcast %jit3A_288 : i32 to vector<16xi32>
    %max3A_291 = arith.maxsi %max3A_290, %add3A_287 : vector<16xi32>
    %min3A_292 = vector.broadcast %jit3A_289 : i32 to vector<16xi32>
    %min3A_293 = arith.minsi %min3A_292, %max3A_291 : vector<16xi32>
    %jit3A_294 = arith.constant 0 : i32
    %jit3A_295 = arith.constant 127 : i32
    %max3A_296 = vector.broadcast %jit3A_294 : i32 to vector<16xi32>
    %max3A_297 = arith.maxsi %max3A_296, %convert_element_type3A_270 : vector<16xi32>
    %min3A_298 = vector.broadcast %jit3A_295 : i32 to vector<16xi32>
    %min3A_299 = arith.minsi %min3A_298, %max3A_297 : vector<16xi32>
    %add3A_300 = arith.constant 1 : i32
    %add3A_301 = vector.broadcast %add3A_300 : i32 to vector<16xi32>
    %add3A_302 = arith.addi %convert_element_type3A_270, %add3A_301 : vector<16xi32>
    %jit3A_303 = arith.constant 0 : i32
    %jit3A_304 = arith.constant 127 : i32
    %max3A_305 = vector.broadcast %jit3A_303 : i32 to vector<16xi32>
    %max3A_306 = arith.maxsi %max3A_305, %add3A_302 : vector<16xi32>
    %min3A_307 = vector.broadcast %jit3A_304 : i32 to vector<16xi32>
    %min3A_308 = arith.minsi %min3A_307, %max3A_306 : vector<16xi32>
    %mul3A_309 = arith.constant 256 : i32
    %mul3A_310 = arith.muli %select_n3A, %mul3A_309 : i32
    %add3A_311 = vector.broadcast %mul3A_310 : i32 to vector<16xi32>
    %add3A_312 = arith.addi %add3A_311, %add3A_110 : vector<16xi32>
    %mul3A_313 = arith.constant 16384 : i32
    %mul3A_314 = vector.broadcast %mul3A_313 : i32 to vector<16xi32>
    %mul3A_315 = arith.muli %add3A_312, %mul3A_314 : vector<16xi32>
    %mul3A_316 = arith.constant 128 : i32
    %mul3A_317 = vector.broadcast %mul3A_316 : i32 to vector<16xi32>
    %mul3A_318 = arith.muli %min3A_299, %mul3A_317 : vector<16xi32>
    %add3A_319 = arith.addi %mul3A_315, %mul3A_318 : vector<16xi32>
    %mul3A_320 = arith.constant 128 : i32
    %mul3A_321 = vector.broadcast %mul3A_320 : i32 to vector<16xi32>
    %mul3A_322 = arith.muli %min3A_308, %mul3A_321 : vector<16xi32>
    %add3A_323 = arith.addi %mul3A_315, %mul3A_322 : vector<16xi32>
    %add3A_324 = arith.addi %add3A_319, %min3A_284 : vector<16xi32>
    %swap3A_325 = arith.constant 64 : index
    %swap3A_326 = tpu.vector_load %arg19[%swap3A_325] {strides = array<i32>} : memref<128xi32, #tpu.memory_space<vmem>>, vector<16xi32>,
    tpu.vector_store %arg19[%swap3A_325], %add3A_324 {strides = array<i32>} : memref<128xi32, #tpu.memory_space<vmem>>, vector<16xi32>,
    %add3A_327 = arith.addi %add3A_319, %min3A_293 : vector<16xi32>
    %swap3A_328 = arith.constant 80 : index
    %swap3A_329 = tpu.vector_load %arg19[%swap3A_328] {strides = array<i32>} : memref<128xi32, #tpu.memory_space<vmem>>, vector<16xi32>,
    tpu.vector_store %arg19[%swap3A_328], %add3A_327 {strides = array<i32>} : memref<128xi32, #tpu.memory_space<vmem>>, vector<16xi32>,
    %add3A_330 = arith.addi %add3A_323, %min3A_284 : vector<16xi32>
    %swap3A_331 = arith.constant 96 : index
    %swap3A_332 = tpu.vector_load %arg19[%swap3A_331] {strides = array<i32>} : memref<128xi32, #tpu.memory_space<vmem>>, vector<16xi32>,
    tpu.vector_store %arg19[%swap3A_331], %add3A_330 {strides = array<i32>} : memref<128xi32, #tpu.memory_space<vmem>>, vector<16xi32>,
    %add3A_333 = arith.addi %add3A_323, %min3A_293 : vector<16xi32>
    %swap3A_334 = arith.constant 112 : index
    %swap3A_335 = tpu.vector_load %arg19[%swap3A_334] {strides = array<i32>} : memref<128xi32, #tpu.memory_space<vmem>>, vector<16xi32>,
    tpu.vector_store %arg19[%swap3A_334], %add3A_333 {strides = array<i32>} : memref<128xi32, #tpu.memory_space<vmem>>, vector<16xi32>,
    %mul3A_336 = arith.constant 16384 : i32
    %mul3A_337 = arith.muli %select_n3A, %mul3A_336 : i32
    %mul3A_338 = arith.constant 128 : i32
    %mul3A_339 = vector.broadcast %mul3A_338 : i32 to vector<16xi32>
    %mul3A_340 = arith.muli %min3A_299, %mul3A_339 : vector<16xi32>
    %add3A_341 = vector.broadcast %mul3A_337 : i32 to vector<16xi32>
    %add3A_342 = arith.addi %add3A_341, %mul3A_340 : vector<16xi32>
    %mul3A_343 = arith.constant 16384 : i32
    %mul3A_344 = arith.muli %select_n3A, %mul3A_343 : i32
    %mul3A_345 = arith.constant 128 : i32
    %mul3A_346 = vector.broadcast %mul3A_345 : i32 to vector<16xi32>
    %mul3A_347 = arith.muli %min3A_308, %mul3A_346 : vector<16xi32>
    %add3A_348 = vector.broadcast %mul3A_344 : i32 to vector<16xi32>
    %add3A_349 = arith.addi %add3A_348, %mul3A_347 : vector<16xi32>
    %add3A_350 = arith.addi %add3A_342, %min3A_284 : vector<16xi32>
    %swap3A_351 = arith.constant 64 : index
    %swap3A_352 = tpu.vector_load %arg20[%swap3A_351] {strides = array<i32>} : memref<128xi32, #tpu.memory_space<vmem>>, vector<16xi32>,
    tpu.vector_store %arg20[%swap3A_351], %add3A_350 {strides = array<i32>} : memref<128xi32, #tpu.memory_space<vmem>>, vector<16xi32>,
    %add3A_353 = arith.addi %add3A_342, %min3A_293 : vector<16xi32>
    %swap3A_354 = arith.constant 80 : index
    %swap3A_355 = tpu.vector_load %arg20[%swap3A_354] {strides = array<i32>} : memref<128xi32, #tpu.memory_space<vmem>>, vector<16xi32>,
    tpu.vector_store %arg20[%swap3A_354], %add3A_353 {strides = array<i32>} : memref<128xi32, #tpu.memory_space<vmem>>, vector<16xi32>,
    %add3A_356 = arith.addi %add3A_349, %min3A_284 : vector<16xi32>
    %swap3A_357 = arith.constant 96 : index
    %swap3A_358 = tpu.vector_load %arg20[%swap3A_357] {strides = array<i32>} : memref<128xi32, #tpu.memory_space<vmem>>, vector<16xi32>,
    tpu.vector_store %arg20[%swap3A_357], %add3A_356 {strides = array<i32>} : memref<128xi32, #tpu.memory_space<vmem>>, vector<16xi32>,
    %add3A_359 = arith.addi %add3A_349, %min3A_293 : vector<16xi32>
    %swap3A_360 = arith.constant 112 : index
    %swap3A_361 = tpu.vector_load %arg20[%swap3A_360] {strides = array<i32>} : memref<128xi32, #tpu.memory_space<vmem>>, vector<16xi32>,
    tpu.vector_store %arg20[%swap3A_360], %add3A_359 {strides = array<i32>} : memref<128xi32, #tpu.memory_space<vmem>>, vector<16xi32>,
    %dma_start3A_362 = arith.constant 64 : i32
    %dma_start3A_363 = tpu.memref_slice %arg19[%dma_start3A_362] : memref<128xi32, #tpu.memory_space<vmem>> -> memref<64xi32, #tpu.memory_space<vmem>>
    %dma_start3A_364 = arith.constant 0 : i32
    %dma_start3A_365 = tpu.memref_slice %arg3[%dma_start3A_364] : memref<8388608xf32, #tpu.memory_space<hbm>> -> memref<8388608xf32, #tpu.memory_space<hbm>>
    tpu.enqueue_indirect_dma source(%dma_start3A_365 : memref<8388608xf32, #tpu.memory_space<hbm>>) target(%arg22 : memref<64xf32, #tpu.memory_space<vmem>>) offsets(%dma_start3A_363 : memref<64xi32, #tpu.memory_space<vmem>>) semaphore(%arg30 : memref<!tpu.dma_semaphore, #tpu.memory_space<semaphore_mem>>)
    %dma_start3A_366 = arith.constant 64 : i32
    %dma_start3A_367 = tpu.memref_slice %arg20[%dma_start3A_366] : memref<128xi32, #tpu.memory_space<vmem>> -> memref<64xi32, #tpu.memory_space<vmem>>
    %dma_start3A_368 = arith.constant 0 : i32
    %dma_start3A_369 = tpu.memref_slice %arg4[%dma_start3A_368] : memref<32768xf32, #tpu.memory_space<hbm>> -> memref<32768xf32, #tpu.memory_space<hbm>>
    tpu.enqueue_indirect_dma source(%dma_start3A_369 : memref<32768xf32, #tpu.memory_space<hbm>>) target(%arg24 : memref<64xf32, #tpu.memory_space<vmem>>) offsets(%dma_start3A_367 : memref<64xi32, #tpu.memory_space<vmem>>) semaphore(%arg32 : memref<!tpu.dma_semaphore, #tpu.memory_space<semaphore_mem>>)
    %dma_wait3A_370 = arith.constant 0 : i32
    %dma_wait3A_371 = tpu.memref_slice %arg19[%dma_wait3A_370] : memref<128xi32, #tpu.memory_space<vmem>> -> memref<64xi32, #tpu.memory_space<vmem>>
    %dma_wait3A_372 = arith.constant 0 : i32
    %dma_wait3A_373 = tpu.memref_slice %arg2[%dma_wait3A_372] : memref<8388608xf32, #tpu.memory_space<hbm>> -> memref<8388608xf32, #tpu.memory_space<hbm>>
    tpu.wait_indirect_dma semaphore(%arg29 : memref<!tpu.dma_semaphore, #tpu.memory_space<semaphore_mem>>) src(%dma_wait3A_373 : memref<8388608xf32, #tpu.memory_space<hbm>>) dst(%arg21 : memref<64xf32, #tpu.memory_space<vmem>>)
    %dma_wait3A_374 = arith.constant 0 : i32
    %dma_wait3A_375 = tpu.memref_slice %arg20[%dma_wait3A_374] : memref<128xi32, #tpu.memory_space<vmem>> -> memref<64xi32, #tpu.memory_space<vmem>>
    %dma_wait3A_376 = arith.constant 0 : i32
    %dma_wait3A_377 = tpu.memref_slice %arg5[%dma_wait3A_376] : memref<32768xf32, #tpu.memory_space<hbm>> -> memref<32768xf32, #tpu.memory_space<hbm>>
    tpu.wait_indirect_dma semaphore(%arg31 : memref<!tpu.dma_semaphore, #tpu.memory_space<semaphore_mem>>) src(%dma_wait3A_377 : memref<32768xf32, #tpu.memory_space<hbm>>) dst(%arg23 : memref<64xf32, #tpu.memory_space<vmem>>)
    %get3A = arith.constant 0 : index
    %get3A_378 = tpu.vector_load %arg17[%get3A] {strides = array<i32>} : memref<32xf32, #tpu.memory_space<vmem>>, vector<16xf32>,
    %get3A_379 = arith.constant 0 : index
    %get3A_380 = tpu.vector_load %arg18[%get3A_379] {strides = array<i32>} : memref<32xf32, #tpu.memory_space<vmem>>, vector<16xf32>,
    %sub3A_381 = arith.constant 1.000000e+00 : f32
    %sub3A_382 = vector.broadcast %sub3A_381 : f32 to vector<16xf32>
    %sub3A_383 = arith.subf %sub3A_382, %get3A_378 : vector<16xf32>
    %sub3A_384 = arith.constant 1.000000e+00 : f32
    %sub3A_385 = vector.broadcast %sub3A_384 : f32 to vector<16xf32>
    %sub3A_386 = arith.subf %sub3A_385, %get3A_380 : vector<16xf32>
    %mul3A_387 = arith.mulf %sub3A_386, %sub3A_383 : vector<16xf32>
    %mul3A_388 = arith.mulf %sub3A_386, %get3A_378 : vector<16xf32>
    %mul3A_389 = arith.mulf %get3A_380, %sub3A_383 : vector<16xf32>
    %mul3A_390 = arith.mulf %get3A_380, %get3A_378 : vector<16xf32>
    %broadcast_in_dim3A_391 = arith.constant 0.000000e+00 : f32
    %broadcast_in_dim3A_392 = vector.broadcast %broadcast_in_dim3A_391 : f32 to vector<16xf32>
    %broadcast_in_dim3A_393 = arith.constant 0.000000e+00 : f32
    %broadcast_in_dim3A_394 = vector.broadcast %broadcast_in_dim3A_393 : f32 to vector<16xf32>
    %get3A_395 = arith.constant 0 : index
    %get3A_396 = tpu.vector_load %arg21[%get3A_395] {strides = array<i32>} : memref<64xf32, #tpu.memory_space<vmem>>, vector<16xf32>,
    %sub3A_397 = arith.constant 1.000000e+00 : f32
    %sub3A_398 = vector.broadcast %sub3A_397 : f32 to vector<16xf32>
    %sub3A_399 = arith.subf %get3A_396, %sub3A_398 : vector<16xf32>
    %mul3A_400 = arith.constant 1.000000e+01 : f32
    %mul3A_401 = vector.broadcast %mul3A_400 : f32 to vector<16xf32>
    %mul3A_402 = arith.mulf %sub3A_399, %mul3A_401 : vector<16xf32>
    %exp3A = math.exp %mul3A_402 : vector<16xf32>
    %mul3A_403 = arith.mulf %mul3A_387, %exp3A : vector<16xf32>
    %add3A_404 = arith.addf %broadcast_in_dim3A_392, %mul3A_403 : vector<16xf32>
    %get3A_405 = arith.constant 0 : index
    %get3A_406 = tpu.vector_load %arg23[%get3A_405] {strides = array<i32>} : memref<64xf32, #tpu.memory_space<vmem>>, vector<16xf32>,
    %mul3A_407 = arith.mulf %mul3A_387, %get3A_406 : vector<16xf32>
    %add3A_408 = arith.addf %broadcast_in_dim3A_394, %mul3A_407 : vector<16xf32>
    %get3A_409 = arith.constant 16 : index
    %get3A_410 = tpu.vector_load %arg21[%get3A_409] {strides = array<i32>} : memref<64xf32, #tpu.memory_space<vmem>>, vector<16xf32>,
    %sub3A_411 = arith.constant 1.000000e+00 : f32
    %sub3A_412 = vector.broadcast %sub3A_411 : f32 to vector<16xf32>
    %sub3A_413 = arith.subf %get3A_410, %sub3A_412 : vector<16xf32>
    %mul3A_414 = arith.constant 1.000000e+01 : f32
    %mul3A_415 = vector.broadcast %mul3A_414 : f32 to vector<16xf32>
    %mul3A_416 = arith.mulf %sub3A_413, %mul3A_415 : vector<16xf32>
    %exp3A_417 = math.exp %mul3A_416 : vector<16xf32>
    %mul3A_418 = arith.mulf %mul3A_388, %exp3A_417 : vector<16xf32>
    %add3A_419 = arith.addf %add3A_404, %mul3A_418 : vector<16xf32>
    %get3A_420 = arith.constant 16 : index
    %get3A_421 = tpu.vector_load %arg23[%get3A_420] {strides = array<i32>} : memref<64xf32, #tpu.memory_space<vmem>>, vector<16xf32>,
    %mul3A_422 = arith.mulf %mul3A_388, %get3A_421 : vector<16xf32>
    %add3A_423 = arith.addf %add3A_408, %mul3A_422 : vector<16xf32>
    %get3A_424 = arith.constant 32 : index
    %get3A_425 = tpu.vector_load %arg21[%get3A_424] {strides = array<i32>} : memref<64xf32, #tpu.memory_space<vmem>>, vector<16xf32>,
    %sub3A_426 = arith.constant 1.000000e+00 : f32
    %sub3A_427 = vector.broadcast %sub3A_426 : f32 to vector<16xf32>
    %sub3A_428 = arith.subf %get3A_425, %sub3A_427 : vector<16xf32>
    %mul3A_429 = arith.constant 1.000000e+01 : f32
    %mul3A_430 = vector.broadcast %mul3A_429 : f32 to vector<16xf32>
    %mul3A_431 = arith.mulf %sub3A_428, %mul3A_430 : vector<16xf32>
    %exp3A_432 = math.exp %mul3A_431 : vector<16xf32>
    %mul3A_433 = arith.mulf %mul3A_389, %exp3A_432 : vector<16xf32>
    %add3A_434 = arith.addf %add3A_419, %mul3A_433 : vector<16xf32>
    %get3A_435 = arith.constant 32 : index
    %get3A_436 = tpu.vector_load %arg23[%get3A_435] {strides = array<i32>} : memref<64xf32, #tpu.memory_space<vmem>>, vector<16xf32>,
    %mul3A_437 = arith.mulf %mul3A_389, %get3A_436 : vector<16xf32>
    %add3A_438 = arith.addf %add3A_423, %mul3A_437 : vector<16xf32>
    %get3A_439 = arith.constant 48 : index
    %get3A_440 = tpu.vector_load %arg21[%get3A_439] {strides = array<i32>} : memref<64xf32, #tpu.memory_space<vmem>>, vector<16xf32>,
    %sub3A_441 = arith.constant 1.000000e+00 : f32
    %sub3A_442 = vector.broadcast %sub3A_441 : f32 to vector<16xf32>
    %sub3A_443 = arith.subf %get3A_440, %sub3A_442 : vector<16xf32>
    %mul3A_444 = arith.constant 1.000000e+01 : f32
    %mul3A_445 = vector.broadcast %mul3A_444 : f32 to vector<16xf32>
    %mul3A_446 = arith.mulf %sub3A_443, %mul3A_445 : vector<16xf32>
    %exp3A_447 = math.exp %mul3A_446 : vector<16xf32>
    %mul3A_448 = arith.mulf %mul3A_390, %exp3A_447 : vector<16xf32>
    %add3A_449 = arith.addf %add3A_434, %mul3A_448 : vector<16xf32>
    %get3A_450 = arith.constant 48 : index
    %get3A_451 = tpu.vector_load %arg23[%get3A_450] {strides = array<i32>} : memref<64xf32, #tpu.memory_space<vmem>>, vector<16xf32>,
    %mul3A_452 = arith.mulf %mul3A_390, %get3A_451 : vector<16xf32>
    %add3A_453 = arith.addf %add3A_438, %mul3A_452 : vector<16xf32>
    %get3A_454 = arith.index_cast %mul3A_32 : i32 to index
    %get3A_455 = tpu.vector_load %arg15[%get3A_454] {strides = array<i32>} : memref<256xf32, #tpu.memory_space<vmem>>, vector<16xf32>,
    %mul3A_456 = arith.mulf %add3A_453, %get3A_455 : vector<16xf32>
    %sub3A_457 = arith.constant 1.000000e+00 : f32
    %sub3A_458 = vector.broadcast %sub3A_457 : f32 to vector<16xf32>
    %sub3A_459 = arith.subf %sub3A_458, %add3A_449 : vector<16xf32>
    %mul3A_460 = arith.mulf %sub3A_459, %mul3A_456 : vector<16xf32>
    %swap3A_461 = arith.constant 0 : index
    %swap3A_462 = tpu.vector_load %arg28[%swap3A_461] {strides = array<i32>} : memref<128xf32, #tpu.memory_space<vmem>>, vector<16xf32>,
    tpu.vector_store %arg28[%swap3A_461], %mul3A_460 {strides = array<i32>} : memref<128xf32, #tpu.memory_space<vmem>>, vector<16xf32>,
    %swap3A_463 = arith.constant 16 : index
    %swap3A_464 = tpu.vector_load %arg28[%swap3A_463] {strides = array<i32>} : memref<128xf32, #tpu.memory_space<vmem>>, vector<16xf32>,
    tpu.vector_store %arg28[%swap3A_463], %mul3A_456 {strides = array<i32>} : memref<128xf32, #tpu.memory_space<vmem>>, vector<16xf32>,
    %dma_wait3A_465 = arith.constant 64 : i32
    %dma_wait3A_466 = tpu.memref_slice %arg19[%dma_wait3A_465] : memref<128xi32, #tpu.memory_space<vmem>> -> memref<64xi32, #tpu.memory_space<vmem>>
    %dma_wait3A_467 = arith.constant 0 : i32
    %dma_wait3A_468 = tpu.memref_slice %arg3[%dma_wait3A_467] : memref<8388608xf32, #tpu.memory_space<hbm>> -> memref<8388608xf32, #tpu.memory_space<hbm>>
    tpu.wait_indirect_dma semaphore(%arg30 : memref<!tpu.dma_semaphore, #tpu.memory_space<semaphore_mem>>) src(%dma_wait3A_468 : memref<8388608xf32, #tpu.memory_space<hbm>>) dst(%arg22 : memref<64xf32, #tpu.memory_space<vmem>>)
    %dma_wait3A_469 = arith.constant 64 : i32
    %dma_wait3A_470 = tpu.memref_slice %arg20[%dma_wait3A_469] : memref<128xi32, #tpu.memory_space<vmem>> -> memref<64xi32, #tpu.memory_space<vmem>>
    %dma_wait3A_471 = arith.constant 0 : i32
    %dma_wait3A_472 = tpu.memref_slice %arg4[%dma_wait3A_471] : memref<32768xf32, #tpu.memory_space<hbm>> -> memref<32768xf32, #tpu.memory_space<hbm>>
    tpu.wait_indirect_dma semaphore(%arg32 : memref<!tpu.dma_semaphore, #tpu.memory_space<semaphore_mem>>) src(%dma_wait3A_472 : memref<32768xf32, #tpu.memory_space<hbm>>) dst(%arg24 : memref<64xf32, #tpu.memory_space<vmem>>)
    %get3A_473 = arith.constant 16 : index
    %get3A_474 = tpu.vector_load %arg17[%get3A_473] {strides = array<i32>} : memref<32xf32, #tpu.memory_space<vmem>>, vector<16xf32>,
    %get3A_475 = arith.constant 16 : index
    %get3A_476 = tpu.vector_load %arg18[%get3A_475] {strides = array<i32>} : memref<32xf32, #tpu.memory_space<vmem>>, vector<16xf32>,
    %sub3A_477 = arith.constant 1.000000e+00 : f32
    %sub3A_478 = vector.broadcast %sub3A_477 : f32 to vector<16xf32>
    %sub3A_479 = arith.subf %sub3A_478, %get3A_474 : vector<16xf32>
    %sub3A_480 = arith.constant 1.000000e+00 : f32
    %sub3A_481 = vector.broadcast %sub3A_480 : f32 to vector<16xf32>
    %sub3A_482 = arith.subf %sub3A_481, %get3A_476 : vector<16xf32>
    %mul3A_483 = arith.mulf %sub3A_482, %sub3A_479 : vector<16xf32>
    %mul3A_484 = arith.mulf %sub3A_482, %get3A_474 : vector<16xf32>
    %mul3A_485 = arith.mulf %get3A_476, %sub3A_479 : vector<16xf32>
    %mul3A_486 = arith.mulf %get3A_476, %get3A_474 : vector<16xf32>
    %broadcast_in_dim3A_487 = arith.constant 0.000000e+00 : f32
    %broadcast_in_dim3A_488 = vector.broadcast %broadcast_in_dim3A_487 : f32 to vector<16xf32>
    %broadcast_in_dim3A_489 = arith.constant 0.000000e+00 : f32
    %broadcast_in_dim3A_490 = vector.broadcast %broadcast_in_dim3A_489 : f32 to vector<16xf32>
    %get3A_491 = arith.constant 0 : index
    %get3A_492 = tpu.vector_load %arg22[%get3A_491] {strides = array<i32>} : memref<64xf32, #tpu.memory_space<vmem>>, vector<16xf32>,
    %sub3A_493 = arith.constant 1.000000e+00 : f32
    %sub3A_494 = vector.broadcast %sub3A_493 : f32 to vector<16xf32>
    %sub3A_495 = arith.subf %get3A_492, %sub3A_494 : vector<16xf32>
    %mul3A_496 = arith.constant 1.000000e+01 : f32
    %mul3A_497 = vector.broadcast %mul3A_496 : f32 to vector<16xf32>
    %mul3A_498 = arith.mulf %sub3A_495, %mul3A_497 : vector<16xf32>
    %exp3A_499 = math.exp %mul3A_498 : vector<16xf32>
    %mul3A_500 = arith.mulf %mul3A_483, %exp3A_499 : vector<16xf32>
    %add3A_501 = arith.addf %broadcast_in_dim3A_488, %mul3A_500 : vector<16xf32>
    %get3A_502 = arith.constant 0 : index
    %get3A_503 = tpu.vector_load %arg24[%get3A_502] {strides = array<i32>} : memref<64xf32, #tpu.memory_space<vmem>>, vector<16xf32>,
    %mul3A_504 = arith.mulf %mul3A_483, %get3A_503 : vector<16xf32>
    %add3A_505 = arith.addf %broadcast_in_dim3A_490, %mul3A_504 : vector<16xf32>
    %get3A_506 = arith.constant 16 : index
    %get3A_507 = tpu.vector_load %arg22[%get3A_506] {strides = array<i32>} : memref<64xf32, #tpu.memory_space<vmem>>, vector<16xf32>,
    %sub3A_508 = arith.constant 1.000000e+00 : f32
    %sub3A_509 = vector.broadcast %sub3A_508 : f32 to vector<16xf32>
    %sub3A_510 = arith.subf %get3A_507, %sub3A_509 : vector<16xf32>
    %mul3A_511 = arith.constant 1.000000e+01 : f32
    %mul3A_512 = vector.broadcast %mul3A_511 : f32 to vector<16xf32>
    %mul3A_513 = arith.mulf %sub3A_510, %mul3A_512 : vector<16xf32>
    %exp3A_514 = math.exp %mul3A_513 : vector<16xf32>
    %mul3A_515 = arith.mulf %mul3A_484, %exp3A_514 : vector<16xf32>
    %add3A_516 = arith.addf %add3A_501, %mul3A_515 : vector<16xf32>
    %get3A_517 = arith.constant 16 : index
    %get3A_518 = tpu.vector_load %arg24[%get3A_517] {strides = array<i32>} : memref<64xf32, #tpu.memory_space<vmem>>, vector<16xf32>,
    %mul3A_519 = arith.mulf %mul3A_484, %get3A_518 : vector<16xf32>
    %add3A_520 = arith.addf %add3A_505, %mul3A_519 : vector<16xf32>
    %get3A_521 = arith.constant 32 : index
    %get3A_522 = tpu.vector_load %arg22[%get3A_521] {strides = array<i32>} : memref<64xf32, #tpu.memory_space<vmem>>, vector<16xf32>,
    %sub3A_523 = arith.constant 1.000000e+00 : f32
    %sub3A_524 = vector.broadcast %sub3A_523 : f32 to vector<16xf32>
    %sub3A_525 = arith.subf %get3A_522, %sub3A_524 : vector<16xf32>
    %mul3A_526 = arith.constant 1.000000e+01 : f32
    %mul3A_527 = vector.broadcast %mul3A_526 : f32 to vector<16xf32>
    %mul3A_528 = arith.mulf %sub3A_525, %mul3A_527 : vector<16xf32>
    %exp3A_529 = math.exp %mul3A_528 : vector<16xf32>
    %mul3A_530 = arith.mulf %mul3A_485, %exp3A_529 : vector<16xf32>
    %add3A_531 = arith.addf %add3A_516, %mul3A_530 : vector<16xf32>
    %get3A_532 = arith.constant 32 : index
    %get3A_533 = tpu.vector_load %arg24[%get3A_532] {strides = array<i32>} : memref<64xf32, #tpu.memory_space<vmem>>, vector<16xf32>,
    %mul3A_534 = arith.mulf %mul3A_485, %get3A_533 : vector<16xf32>
    %add3A_535 = arith.addf %add3A_520, %mul3A_534 : vector<16xf32>
    %get3A_536 = arith.constant 48 : index
    %get3A_537 = tpu.vector_load %arg22[%get3A_536] {strides = array<i32>} : memref<64xf32, #tpu.memory_space<vmem>>, vector<16xf32>,
    %sub3A_538 = arith.constant 1.000000e+00 : f32
    %sub3A_539 = vector.broadcast %sub3A_538 : f32 to vector<16xf32>
    %sub3A_540 = arith.subf %get3A_537, %sub3A_539 : vector<16xf32>
    %mul3A_541 = arith.constant 1.000000e+01 : f32
    %mul3A_542 = vector.broadcast %mul3A_541 : f32 to vector<16xf32>
    %mul3A_543 = arith.mulf %sub3A_540, %mul3A_542 : vector<16xf32>
    %exp3A_544 = math.exp %mul3A_543 : vector<16xf32>
    %mul3A_545 = arith.mulf %mul3A_486, %exp3A_544 : vector<16xf32>
    %add3A_546 = arith.addf %add3A_531, %mul3A_545 : vector<16xf32>
    %get3A_547 = arith.constant 48 : index
    %get3A_548 = tpu.vector_load %arg24[%get3A_547] {strides = array<i32>} : memref<64xf32, #tpu.memory_space<vmem>>, vector<16xf32>,
    %mul3A_549 = arith.mulf %mul3A_486, %get3A_548 : vector<16xf32>
    %add3A_550 = arith.addf %add3A_535, %mul3A_549 : vector<16xf32>
    %get3A_551 = arith.index_cast %mul3A_32 : i32 to index
    %get3A_552 = tpu.vector_load %arg16[%get3A_551] {strides = array<i32>} : memref<256xf32, #tpu.memory_space<vmem>>, vector<16xf32>,
    %mul3A_553 = arith.mulf %add3A_550, %get3A_552 : vector<16xf32>
    %sub3A_554 = arith.constant 1.000000e+00 : f32
    %sub3A_555 = vector.broadcast %sub3A_554 : f32 to vector<16xf32>
    %sub3A_556 = arith.subf %sub3A_555, %add3A_546 : vector<16xf32>
    %mul3A_557 = arith.mulf %sub3A_556, %mul3A_553 : vector<16xf32>
    %swap3A_558 = arith.constant 32 : index
    %swap3A_559 = tpu.vector_load %arg28[%swap3A_558] {strides = array<i32>} : memref<128xf32, #tpu.memory_space<vmem>>, vector<16xf32>,
    tpu.vector_store %arg28[%swap3A_558], %mul3A_557 {strides = array<i32>} : memref<128xf32, #tpu.memory_space<vmem>>, vector<16xf32>,
    %swap3A_560 = arith.constant 48 : index
    %swap3A_561 = tpu.vector_load %arg28[%swap3A_560] {strides = array<i32>} : memref<128xf32, #tpu.memory_space<vmem>>, vector<16xf32>,
    tpu.vector_store %arg28[%swap3A_560], %mul3A_553 {strides = array<i32>} : memref<128xf32, #tpu.memory_space<vmem>>, vector<16xf32>,
    %convert_element_type3A_562 = arith.extui %lt3A_50 : i1 to i32
    %cond3A_563 = arith.constant 0 : i32
    %cond3A_564 = arith.cmpi ne, %convert_element_type3A_562, %cond3A_563 : i32
    scf.if %cond3A_564 {
      %mul3A_565 = arith.constant 256 : i32
      %mul3A_566 = arith.muli %select_n3A, %mul3A_565 : i32
      %mul3A_567 = arith.constant 128 : i32
      %mul3A_568 = arith.muli %select_n3A_66, %mul3A_567 : i32
      %add3A_569 = arith.addi %mul3A_566, %mul3A_568 : i32
      %dma_wait3A_570 = arith.constant 0 : i32
      %dma_wait3A_571 = tpu.memref_slice %arg11[%add3A_569, %dma_wait3A_570] : memref<512x256xf32, #tpu.memory_space<hbm>> -> memref<128x256xf32, #tpu.memory_space<hbm>>
      %dma_wait3A_572 = arith.constant 0 : i32
      %dma_wait3A_573 = tpu.memref_slice %arg11[%add3A_569, %dma_wait3A_572] : memref<512x256xf32, #tpu.memory_space<hbm>> -> memref<128x256xf32, #tpu.memory_space<hbm>>
      tpu.wait_dma2 semaphore(%arg33 : memref<!tpu.dma_semaphore, #tpu.memory_space<semaphore_mem>>) src(%dma_wait3A_573 : memref<128x256xf32, #tpu.memory_space<hbm>>) dst(%arg27 : memref<128x256xf32, #tpu.memory_space<vmem>>)
      tpu.wait_dma2 semaphore(%arg34 : memref<!tpu.dma_semaphore, #tpu.memory_space<semaphore_mem>>) src(%arg9 : memref<2x200xi32, #tpu.memory_space<hbm>>) dst(%arg25 : memref<2x200xi32, #tpu.memory_space<vmem>>)
      tpu.wait_dma2 semaphore(%arg35 : memref<!tpu.dma_semaphore, #tpu.memory_space<semaphore_mem>>) src(%arg10 : memref<2x200xi32, #tpu.memory_space<hbm>>) dst(%arg26 : memref<2x200xi32, #tpu.memory_space<vmem>>)
      %broadcast_in_dim3A_574 = vector.broadcast %select_n3A : i32 to vector<16xi32>
      %mul3A_575 = arith.constant 128 : i32
      %mul3A_576 = arith.muli %select_n3A_66, %mul3A_575 : i32
      %broadcast_in_dim3A_577 = arith.constant 0.000000e+00 : f32
      %broadcast_in_dim3A_578 = vector.broadcast %broadcast_in_dim3A_577 : f32 to vector<16xf32>
      %broadcast_in_dim3A_579 = arith.constant 0.000000e+00 : f32
      %broadcast_in_dim3A_580 = vector.broadcast %broadcast_in_dim3A_579 : f32 to vector<16xf32>
      %scan3A = arith.constant 0 : i32
      %scan3A_581 = arith.constant 13 : i32
      %scan3A_582 = arith.addi %scan3A, %scan3A_581 : i32
      %scan3A_583 = arith.constant 1 : i32
      %scan3A_584:2 = scf.for %scan3A_590 = %scan3A to %scan3A_582 step %scan3A_583 iter_args(%scan3A_591 = %broadcast_in_dim3A_578, %scan3A_592 = %broadcast_in_dim3A_580) -> (vector<16xf32>, vector<16xf32>)  : i32 {
        %mul3A_593 = arith.constant 16 : i32
        %mul3A_594 = arith.muli %scan3A_590, %mul3A_593 : i32
        %iota3A_595 = tpu.iota {dimensions = array<i32: 0>} : vector<16xi32>
        %add3A_596 = vector.broadcast %mul3A_594 : i32 to vector<16xi32>
        %add3A_597 = arith.addi %add3A_596, %iota3A_595 : vector<16xi32>
        %min3A_598 = arith.constant 199 : i32
        %min3A_599 = vector.broadcast %min3A_598 : i32 to vector<16xi32>
        %min3A_600 = arith.minsi %add3A_597, %min3A_599 : vector<16xi32>
        %gather3A_601 = tpu.vector_load_idx %arg25[%broadcast_in_dim3A_574, %min3A_600] : memref<2x200xi32, #tpu.memory_space<vmem>>[vector<16xi32>, vector<16xi32>], vector<16xi32>,
        %gather3A_602 = tpu.vector_load_idx %arg26[%broadcast_in_dim3A_574, %min3A_600] : memref<2x200xi32, #tpu.memory_space<vmem>>[vector<16xi32>, vector<16xi32>], vector<16xi32>,
        %sub3A_603 = vector.broadcast %mul3A_576 : i32 to vector<16xi32>
        %sub3A_604 = arith.subi %gather3A_601, %sub3A_603 : vector<16xi32>
        %ge3A = arith.constant 0 : i32
        %ge3A_605 = vector.broadcast %ge3A : i32 to vector<16xi32>
        %ge3A_606 = arith.cmpi sge, %sub3A_604, %ge3A_605 : vector<16xi32>
        %lt3A_607 = arith.constant 128 : i32
        %lt3A_608 = vector.broadcast %lt3A_607 : i32 to vector<16xi32>
        %lt3A_609 = arith.cmpi slt, %sub3A_604, %lt3A_608 : vector<16xi32>
        %and3A_610 = arith.andi %ge3A_606, %lt3A_609 : vector<16xi1>
        %jit3A_611 = arith.constant 0 : i32
        %jit3A_612 = arith.constant 127 : i32
        %max3A_613 = vector.broadcast %jit3A_611 : i32 to vector<16xi32>
        %max3A_614 = arith.maxsi %max3A_613, %sub3A_604 : vector<16xi32>
        %min3A_615 = vector.broadcast %jit3A_612 : i32 to vector<16xi32>
        %min3A_616 = arith.minsi %min3A_615, %max3A_614 : vector<16xi32>
        %gather3A_617 = tpu.vector_load_idx %arg27[%min3A_616, %gather3A_602] : memref<128x256xf32, #tpu.memory_space<vmem>>[vector<16xi32>, vector<16xi32>], vector<16xf32>,
        %gather3A_618 = tpu.vector_load_idx %arg15[%gather3A_601] : memref<256xf32, #tpu.memory_space<vmem>>[vector<16xi32>], vector<16xf32>,
        %gather3A_619 = tpu.vector_load_idx %arg16[%gather3A_602] : memref<256xf32, #tpu.memory_space<vmem>>[vector<16xi32>], vector<16xf32>,
        %gt3A = arith.constant 1.000000e-01 : f32
        %gt3A_620 = vector.broadcast %gt3A : f32 to vector<16xf32>
        %gt3A_621 = arith.cmpf ogt, %gather3A_618, %gt3A_620 : vector<16xf32>
        %gt3A_622 = arith.constant 1.000000e-01 : f32
        %gt3A_623 = vector.broadcast %gt3A_622 : f32 to vector<16xf32>
        %gt3A_624 = arith.cmpf ogt, %gather3A_619, %gt3A_623 : vector<16xf32>
        %and3A_625 = arith.andi %gt3A_621, %gt3A_624 : vector<16xi1>
        %and3A_626 = arith.andi %and3A_625, %and3A_610 : vector<16xi1>
        %lt3A_627 = arith.constant 200 : i32
        %lt3A_628 = vector.broadcast %lt3A_627 : i32 to vector<16xi32>
        %lt3A_629 = arith.cmpi slt, %add3A_597, %lt3A_628 : vector<16xi32>
        %and3A_630 = arith.andi %and3A_626, %lt3A_629 : vector<16xi1>
        %jit3A_631 = arith.constant 1.000000e+00 : f32
        %jit3A_632 = arith.constant 0.000000e+00 : f32
        %broadcast_in_dim3A_633 = vector.broadcast %jit3A_631 : f32 to vector<16xf32>
        %broadcast_in_dim3A_634 = vector.broadcast %jit3A_632 : f32 to vector<16xf32>
        %select_n3A_635 = arith.select %and3A_630, %broadcast_in_dim3A_633, %broadcast_in_dim3A_634 : vector<16xi1>, vector<16xf32>
        %mul3A_636 = arith.mulf %gather3A_617, %select_n3A_635 : vector<16xf32>
        %add3A_637 = arith.addf %scan3A_591, %mul3A_636 : vector<16xf32>
        %add3A_638 = arith.addf %scan3A_592, %select_n3A_635 : vector<16xf32>
        scf.yield %add3A_637, %add3A_638 : vector<16xf32>, vector<16xf32>
      }
      %scan3A_585 = arith.constant 13 : i32
      %swap3A_586 = arith.constant 64 : index
      %swap3A_587 = tpu.vector_load %arg28[%swap3A_586] {strides = array<i32>} : memref<128xf32, #tpu.memory_space<vmem>>, vector<16xf32>,
      tpu.vector_store %arg28[%swap3A_586], %scan3A_584#0 {strides = array<i32>} : memref<128xf32, #tpu.memory_space<vmem>>, vector<16xf32>,
      %swap3A_588 = arith.constant 80 : index
      %swap3A_589 = tpu.vector_load %arg28[%swap3A_588] {strides = array<i32>} : memref<128xf32, #tpu.memory_space<vmem>>, vector<16xf32>,
      tpu.vector_store %arg28[%swap3A_588], %scan3A_584#1 {strides = array<i32>} : memref<128xf32, #tpu.memory_space<vmem>>, vector<16xf32>,
    } else {
    }
    "tpu.region"() ({
      %run_scoped3A = tpu.sem_alloc : memref<!tpu.dma_semaphore, #tpu.memory_space<semaphore_mem>>
      %dma_start3A_565 = arith.constant 0 : i32
      %dma_start3A_566 = tpu.memref_slice %arg12[%add3A, %dma_start3A_565] : memref<32x128xf32, #tpu.memory_space<hbm>> -> memref<1x128xf32, #tpu.memory_space<hbm>>
      %dma_start3A_567 = tpu.memref_squeeze %dma_start3A_566 : memref<1x128xf32, #tpu.memory_space<hbm>> -> memref<128xf32, #tpu.memory_space<hbm>>
      %dma_start3A_568 = arith.constant 0 : i32
      %dma_start3A_569 = tpu.memref_slice %arg12[%add3A, %dma_start3A_568] : memref<32x128xf32, #tpu.memory_space<hbm>> -> memref<1x128xf32, #tpu.memory_space<hbm>>
      %dma_start3A_570 = tpu.memref_squeeze %dma_start3A_569 : memref<1x128xf32, #tpu.memory_space<hbm>> -> memref<128xf32, #tpu.memory_space<hbm>>
      tpu.enqueue_dma source(%arg28 : memref<128xf32, #tpu.memory_space<vmem>>) target(%dma_start3A_570 : memref<128xf32, #tpu.memory_space<hbm>>) target_semaphore(%run_scoped3A : memref<!tpu.dma_semaphore, #tpu.memory_space<semaphore_mem>>)
      %dma_wait3A_571 = arith.constant 0 : i32
      %dma_wait3A_572 = tpu.memref_slice %arg12[%add3A, %dma_wait3A_571] : memref<32x128xf32, #tpu.memory_space<hbm>> -> memref<1x128xf32, #tpu.memory_space<hbm>>
      %dma_wait3A_573 = tpu.memref_squeeze %dma_wait3A_572 : memref<1x128xf32, #tpu.memory_space<hbm>> -> memref<128xf32, #tpu.memory_space<hbm>>
      %dma_wait3A_574 = arith.constant 0 : i32
      %dma_wait3A_575 = tpu.memref_slice %arg12[%add3A, %dma_wait3A_574] : memref<32x128xf32, #tpu.memory_space<hbm>> -> memref<1x128xf32, #tpu.memory_space<hbm>>
      %dma_wait3A_576 = tpu.memref_squeeze %dma_wait3A_575 : memref<1x128xf32, #tpu.memory_space<hbm>> -> memref<128xf32, #tpu.memory_space<hbm>>
      tpu.wait_dma2 semaphore(%run_scoped3A : memref<!tpu.dma_semaphore, #tpu.memory_space<semaphore_mem>>) src(%arg28 : memref<128xf32, #tpu.memory_space<vmem>>) dst(%dma_wait3A_576 : memref<128xf32, #tpu.memory_space<hbm>>)
      tpu.yield
    }) : () -> ()
    return
  }
}

module attributes {stable_mosaic.version = 14 : i64} {
  func.func @_fin_body(%arg0: memref<32x128xf32, #tpu.memory_space<vmem>>, %arg1: memref<2x400xf32, #tpu.memory_space<vmem>>, %arg2: memref<2x400xf32, #tpu.memory_space<vmem>>, %arg3: memref<2x400xf32, #tpu.memory_space<vmem>>, %arg4: memref<2x400xf32, #tpu.memory_space<vmem>>, %arg5: memref<1xf32, #tpu.memory_space<smem>>) attributes {dimension_semantics = [], scalar_prefetch = 0 : i64, scratch_operands = 0 : i64, tpu.core_type = #tpu.core_type<tc>} {
    %get3A = arith.constant 0 : index
    %get3A_0 = arith.constant 0 : index
    %get3A_1 = vector.load %arg0[%get3A, %get3A_0] : memref<32x128xf32, #tpu.memory_space<vmem>>, vector<32x128xf32>
    %reshape3A = vector.shape_cast %get3A_1 : vector<32x128xf32> to vector<2x16x128xf32>
    %reduce_sum3A = arith.constant dense<0.000000e+00> : vector<2x128xf32>
    %reduce_sum3A_2 = vector.multi_reduction <add>, %reshape3A, %reduce_sum3A [1] : vector<2x16x128xf32> to vector<2x128xf32>
    %slice3A = vector.extract_strided_slice %reduce_sum3A_2 {offsets = [0, 0], sizes = [1, 16], strides = [1, 1]} : vector<2x128xf32> to vector<1x16xf32>
    %squeeze3A = vector.shape_cast %slice3A : vector<1x16xf32> to vector<16xf32>
    %reduce_sum3A_3 = vector.shape_cast %squeeze3A : vector<16xf32> to vector<1x16xf32>
    %reduce_sum3A_4 = arith.constant dense<0.000000e+00> : vector<1xf32>
    %reduce_sum3A_5 = vector.multi_reduction <add>, %reduce_sum3A_3, %reduce_sum3A_4 [1] : vector<1x16xf32> to vector<1xf32>
    %reduce_sum3A_6 = vector.shape_cast %reduce_sum3A_5 : vector<1xf32> to vector<1x1xf32>
    %reduce_sum3A_7 = vector.extract %reduce_sum3A_6[0, 0] : f32 from vector<1x1xf32>
    %slice3A_8 = vector.extract_strided_slice %reduce_sum3A_2 {offsets = [0, 16], sizes = [1, 16], strides = [1, 1]} : vector<2x128xf32> to vector<1x16xf32>
    %squeeze3A_9 = vector.shape_cast %slice3A_8 : vector<1x16xf32> to vector<16xf32>
    %reduce_sum3A_10 = vector.shape_cast %squeeze3A_9 : vector<16xf32> to vector<1x16xf32>
    %reduce_sum3A_11 = arith.constant dense<0.000000e+00> : vector<1xf32>
    %reduce_sum3A_12 = vector.multi_reduction <add>, %reduce_sum3A_10, %reduce_sum3A_11 [1] : vector<1x16xf32> to vector<1xf32>
    %reduce_sum3A_13 = vector.shape_cast %reduce_sum3A_12 : vector<1xf32> to vector<1x1xf32>
    %reduce_sum3A_14 = vector.extract %reduce_sum3A_13[0, 0] : f32 from vector<1x1xf32>
    %mul3A = arith.constant 2.560000e+02 : f32
    %mul3A_15 = arith.mulf %reduce_sum3A_7, %mul3A : f32
    %div3A = arith.divf %mul3A_15, %reduce_sum3A_14 : f32
    %add3A = arith.constant 0.000000e+00 : f32
    %add3A_16 = arith.addf %add3A, %div3A : f32
    %slice3A_17 = vector.extract_strided_slice %reduce_sum3A_2 {offsets = [1, 0], sizes = [1, 16], strides = [1, 1]} : vector<2x128xf32> to vector<1x16xf32>
    %squeeze3A_18 = vector.shape_cast %slice3A_17 : vector<1x16xf32> to vector<16xf32>
    %reduce_sum3A_19 = vector.shape_cast %squeeze3A_18 : vector<16xf32> to vector<1x16xf32>
    %reduce_sum3A_20 = arith.constant dense<0.000000e+00> : vector<1xf32>
    %reduce_sum3A_21 = vector.multi_reduction <add>, %reduce_sum3A_19, %reduce_sum3A_20 [1] : vector<1x16xf32> to vector<1xf32>
    %reduce_sum3A_22 = vector.shape_cast %reduce_sum3A_21 : vector<1xf32> to vector<1x1xf32>
    %reduce_sum3A_23 = vector.extract %reduce_sum3A_22[0, 0] : f32 from vector<1x1xf32>
    %slice3A_24 = vector.extract_strided_slice %reduce_sum3A_2 {offsets = [1, 16], sizes = [1, 16], strides = [1, 1]} : vector<2x128xf32> to vector<1x16xf32>
    %squeeze3A_25 = vector.shape_cast %slice3A_24 : vector<1x16xf32> to vector<16xf32>
    %reduce_sum3A_26 = vector.shape_cast %squeeze3A_25 : vector<16xf32> to vector<1x16xf32>
    %reduce_sum3A_27 = arith.constant dense<0.000000e+00> : vector<1xf32>
    %reduce_sum3A_28 = vector.multi_reduction <add>, %reduce_sum3A_26, %reduce_sum3A_27 [1] : vector<1x16xf32> to vector<1xf32>
    %reduce_sum3A_29 = vector.shape_cast %reduce_sum3A_28 : vector<1xf32> to vector<1x1xf32>
    %reduce_sum3A_30 = vector.extract %reduce_sum3A_29[0, 0] : f32 from vector<1x1xf32>
    %mul3A_31 = arith.constant 2.560000e+02 : f32
    %mul3A_32 = arith.mulf %reduce_sum3A_23, %mul3A_31 : f32
    %div3A_33 = arith.divf %mul3A_32, %reduce_sum3A_30 : f32
    %add3A_34 = arith.addf %add3A_16, %div3A_33 : f32
    %slice3A_35 = vector.extract_strided_slice %reduce_sum3A_2 {offsets = [0, 32], sizes = [1, 16], strides = [1, 1]} : vector<2x128xf32> to vector<1x16xf32>
    %squeeze3A_36 = vector.shape_cast %slice3A_35 : vector<1x16xf32> to vector<16xf32>
    %reduce_sum3A_37 = vector.shape_cast %squeeze3A_36 : vector<16xf32> to vector<1x16xf32>
    %reduce_sum3A_38 = arith.constant dense<0.000000e+00> : vector<1xf32>
    %reduce_sum3A_39 = vector.multi_reduction <add>, %reduce_sum3A_37, %reduce_sum3A_38 [1] : vector<1x16xf32> to vector<1xf32>
    %reduce_sum3A_40 = vector.shape_cast %reduce_sum3A_39 : vector<1xf32> to vector<1x1xf32>
    %reduce_sum3A_41 = vector.extract %reduce_sum3A_40[0, 0] : f32 from vector<1x1xf32>
    %slice3A_42 = vector.extract_strided_slice %reduce_sum3A_2 {offsets = [0, 48], sizes = [1, 16], strides = [1, 1]} : vector<2x128xf32> to vector<1x16xf32>
    %squeeze3A_43 = vector.shape_cast %slice3A_42 : vector<1x16xf32> to vector<16xf32>
    %reduce_sum3A_44 = vector.shape_cast %squeeze3A_43 : vector<16xf32> to vector<1x16xf32>
    %reduce_sum3A_45 = arith.constant dense<0.000000e+00> : vector<1xf32>
    %reduce_sum3A_46 = vector.multi_reduction <add>, %reduce_sum3A_44, %reduce_sum3A_45 [1] : vector<1x16xf32> to vector<1xf32>
    %reduce_sum3A_47 = vector.shape_cast %reduce_sum3A_46 : vector<1xf32> to vector<1x1xf32>
    %reduce_sum3A_48 = vector.extract %reduce_sum3A_47[0, 0] : f32 from vector<1x1xf32>
    %mul3A_49 = arith.constant 2.560000e+02 : f32
    %mul3A_50 = arith.mulf %reduce_sum3A_41, %mul3A_49 : f32
    %div3A_51 = arith.divf %mul3A_50, %reduce_sum3A_48 : f32
    %add3A_52 = arith.addf %add3A_34, %div3A_51 : f32
    %slice3A_53 = vector.extract_strided_slice %reduce_sum3A_2 {offsets = [1, 32], sizes = [1, 16], strides = [1, 1]} : vector<2x128xf32> to vector<1x16xf32>
    %squeeze3A_54 = vector.shape_cast %slice3A_53 : vector<1x16xf32> to vector<16xf32>
    %reduce_sum3A_55 = vector.shape_cast %squeeze3A_54 : vector<16xf32> to vector<1x16xf32>
    %reduce_sum3A_56 = arith.constant dense<0.000000e+00> : vector<1xf32>
    %reduce_sum3A_57 = vector.multi_reduction <add>, %reduce_sum3A_55, %reduce_sum3A_56 [1] : vector<1x16xf32> to vector<1xf32>
    %reduce_sum3A_58 = vector.shape_cast %reduce_sum3A_57 : vector<1xf32> to vector<1x1xf32>
    %reduce_sum3A_59 = vector.extract %reduce_sum3A_58[0, 0] : f32 from vector<1x1xf32>
    %slice3A_60 = vector.extract_strided_slice %reduce_sum3A_2 {offsets = [1, 48], sizes = [1, 16], strides = [1, 1]} : vector<2x128xf32> to vector<1x16xf32>
    %squeeze3A_61 = vector.shape_cast %slice3A_60 : vector<1x16xf32> to vector<16xf32>
    %reduce_sum3A_62 = vector.shape_cast %squeeze3A_61 : vector<16xf32> to vector<1x16xf32>
    %reduce_sum3A_63 = arith.constant dense<0.000000e+00> : vector<1xf32>
    %reduce_sum3A_64 = vector.multi_reduction <add>, %reduce_sum3A_62, %reduce_sum3A_63 [1] : vector<1x16xf32> to vector<1xf32>
    %reduce_sum3A_65 = vector.shape_cast %reduce_sum3A_64 : vector<1xf32> to vector<1x1xf32>
    %reduce_sum3A_66 = vector.extract %reduce_sum3A_65[0, 0] : f32 from vector<1x1xf32>
    %mul3A_67 = arith.constant 2.560000e+02 : f32
    %mul3A_68 = arith.mulf %reduce_sum3A_59, %mul3A_67 : f32
    %div3A_69 = arith.divf %mul3A_68, %reduce_sum3A_66 : f32
    %add3A_70 = arith.addf %add3A_52, %div3A_69 : f32
    %div3A_71 = arith.constant 1.024000e+03 : f32
    %div3A_72 = arith.divf %add3A_70, %div3A_71 : f32
    %slice3A_73 = vector.extract_strided_slice %reduce_sum3A_2 {offsets = [0, 64], sizes = [1, 16], strides = [1, 1]} : vector<2x128xf32> to vector<1x16xf32>
    %squeeze3A_74 = vector.shape_cast %slice3A_73 : vector<1x16xf32> to vector<16xf32>
    %reduce_sum3A_75 = vector.shape_cast %squeeze3A_74 : vector<16xf32> to vector<1x16xf32>
    %reduce_sum3A_76 = arith.constant dense<0.000000e+00> : vector<1xf32>
    %reduce_sum3A_77 = vector.multi_reduction <add>, %reduce_sum3A_75, %reduce_sum3A_76 [1] : vector<1x16xf32> to vector<1xf32>
    %reduce_sum3A_78 = vector.shape_cast %reduce_sum3A_77 : vector<1xf32> to vector<1x1xf32>
    %reduce_sum3A_79 = vector.extract %reduce_sum3A_78[0, 0] : f32 from vector<1x1xf32>
    %slice3A_80 = vector.extract_strided_slice %reduce_sum3A_2 {offsets = [1, 64], sizes = [1, 16], strides = [1, 1]} : vector<2x128xf32> to vector<1x16xf32>
    %squeeze3A_81 = vector.shape_cast %slice3A_80 : vector<1x16xf32> to vector<16xf32>
    %reduce_sum3A_82 = vector.shape_cast %squeeze3A_81 : vector<16xf32> to vector<1x16xf32>
    %reduce_sum3A_83 = arith.constant dense<0.000000e+00> : vector<1xf32>
    %reduce_sum3A_84 = vector.multi_reduction <add>, %reduce_sum3A_82, %reduce_sum3A_83 [1] : vector<1x16xf32> to vector<1xf32>
    %reduce_sum3A_85 = vector.shape_cast %reduce_sum3A_84 : vector<1xf32> to vector<1x1xf32>
    %reduce_sum3A_86 = vector.extract %reduce_sum3A_85[0, 0] : f32 from vector<1x1xf32>
    %add3A_87 = arith.addf %reduce_sum3A_79, %reduce_sum3A_86 : f32
    %slice3A_88 = vector.extract_strided_slice %reduce_sum3A_2 {offsets = [0, 80], sizes = [1, 16], strides = [1, 1]} : vector<2x128xf32> to vector<1x16xf32>
    %squeeze3A_89 = vector.shape_cast %slice3A_88 : vector<1x16xf32> to vector<16xf32>
    %reduce_sum3A_90 = vector.shape_cast %squeeze3A_89 : vector<16xf32> to vector<1x16xf32>
    %reduce_sum3A_91 = arith.constant dense<0.000000e+00> : vector<1xf32>
    %reduce_sum3A_92 = vector.multi_reduction <add>, %reduce_sum3A_90, %reduce_sum3A_91 [1] : vector<1x16xf32> to vector<1xf32>
    %reduce_sum3A_93 = vector.shape_cast %reduce_sum3A_92 : vector<1xf32> to vector<1x1xf32>
    %reduce_sum3A_94 = vector.extract %reduce_sum3A_93[0, 0] : f32 from vector<1x1xf32>
    %slice3A_95 = vector.extract_strided_slice %reduce_sum3A_2 {offsets = [1, 80], sizes = [1, 16], strides = [1, 1]} : vector<2x128xf32> to vector<1x16xf32>
    %squeeze3A_96 = vector.shape_cast %slice3A_95 : vector<1x16xf32> to vector<16xf32>
    %reduce_sum3A_97 = vector.shape_cast %squeeze3A_96 : vector<16xf32> to vector<1x16xf32>
    %reduce_sum3A_98 = arith.constant dense<0.000000e+00> : vector<1xf32>
    %reduce_sum3A_99 = vector.multi_reduction <add>, %reduce_sum3A_97, %reduce_sum3A_98 [1] : vector<1x16xf32> to vector<1xf32>
    %reduce_sum3A_100 = vector.shape_cast %reduce_sum3A_99 : vector<1xf32> to vector<1x1xf32>
    %reduce_sum3A_101 = vector.extract %reduce_sum3A_100[0, 0] : f32 from vector<1x1xf32>
    %add3A_102 = arith.addf %reduce_sum3A_94, %reduce_sum3A_101 : f32
    %max3A = arith.constant 1.000000e+00 : f32
    %max3A_103 = arith.maximumf %add3A_102, %max3A : f32
    %div3A_104 = arith.divf %add3A_87, %max3A_103 : f32
    %get3A_105 = arith.constant 0 : index
    %get3A_106 = arith.constant 0 : index
    %get3A_107 = vector.load %arg1[%get3A_105, %get3A_106] : memref<2x400xf32, #tpu.memory_space<vmem>>, vector<2x400xf32>
    %get3A_108 = arith.constant 0 : index
    %get3A_109 = arith.constant 0 : index
    %get3A_110 = vector.load %arg2[%get3A_108, %get3A_109] : memref<2x400xf32, #tpu.memory_space<vmem>>, vector<2x400xf32>
    %gt3A = arith.constant 1.000000e-01 : f32
    %gt3A_111 = vector.broadcast %gt3A : f32 to vector<2x400xf32>
    %gt3A_112 = arith.cmpf ogt, %get3A_107, %gt3A_111 : vector<2x400xf32>
    %jit3A = arith.constant 1.000000e+00 : f32
    %jit3A_113 = arith.constant 0.000000e+00 : f32
    %broadcast_in_dim3A = vector.broadcast %jit3A : f32 to vector<2x400xf32>
    %broadcast_in_dim3A_114 = vector.broadcast %jit3A_113 : f32 to vector<2x400xf32>
    %select_n3A = arith.select %gt3A_112, %broadcast_in_dim3A, %broadcast_in_dim3A_114 : vector<2x400xi1>, vector<2x400xf32>
    %mul3A_115 = arith.mulf %get3A_110, %select_n3A : vector<2x400xf32>
    %reduce_sum3A_116 = vector.shape_cast %mul3A_115 : vector<2x400xf32> to vector<1x2x400xf32>
    %reduce_sum3A_117 = arith.constant dense<0.000000e+00> : vector<1xf32>
    %reduce_sum3A_118 = vector.multi_reduction <add>, %reduce_sum3A_116, %reduce_sum3A_117 [1, 2] : vector<1x2x400xf32> to vector<1xf32>
    %reduce_sum3A_119 = vector.shape_cast %reduce_sum3A_118 : vector<1xf32> to vector<1x1x1xf32>
    %reduce_sum3A_120 = vector.extract %reduce_sum3A_119[0, 0, 0] : f32 from vector<1x1x1xf32>
    %reduce_sum3A_121 = vector.shape_cast %select_n3A : vector<2x400xf32> to vector<1x2x400xf32>
    %reduce_sum3A_122 = arith.constant dense<0.000000e+00> : vector<1xf32>
    %reduce_sum3A_123 = vector.multi_reduction <add>, %reduce_sum3A_121, %reduce_sum3A_122 [1, 2] : vector<1x2x400xf32> to vector<1xf32>
    %reduce_sum3A_124 = vector.shape_cast %reduce_sum3A_123 : vector<1xf32> to vector<1x1x1xf32>
    %reduce_sum3A_125 = vector.extract %reduce_sum3A_124[0, 0, 0] : f32 from vector<1x1x1xf32>
    %max3A_126 = arith.constant 1.000000e+00 : f32
    %max3A_127 = arith.maximumf %reduce_sum3A_125, %max3A_126 : f32
    %div3A_128 = arith.divf %reduce_sum3A_120, %max3A_127 : f32
    %get3A_129 = arith.constant 0 : index
    %get3A_130 = arith.constant 0 : index
    %get3A_131 = vector.load %arg3[%get3A_129, %get3A_130] : memref<2x400xf32, #tpu.memory_space<vmem>>, vector<2x400xf32>
    %get3A_132 = arith.constant 0 : index
    %get3A_133 = arith.constant 0 : index
    %get3A_134 = vector.load %arg4[%get3A_132, %get3A_133] : memref<2x400xf32, #tpu.memory_space<vmem>>, vector<2x400xf32>
    %gt3A_135 = arith.constant 1.000000e-01 : f32
    %gt3A_136 = vector.broadcast %gt3A_135 : f32 to vector<2x400xf32>
    %gt3A_137 = arith.cmpf ogt, %get3A_131, %gt3A_136 : vector<2x400xf32>
    %jit3A_138 = arith.constant 1.000000e+00 : f32
    %jit3A_139 = arith.constant 0.000000e+00 : f32
    %broadcast_in_dim3A_140 = vector.broadcast %jit3A_138 : f32 to vector<2x400xf32>
    %broadcast_in_dim3A_141 = vector.broadcast %jit3A_139 : f32 to vector<2x400xf32>
    %select_n3A_142 = arith.select %gt3A_137, %broadcast_in_dim3A_140, %broadcast_in_dim3A_141 : vector<2x400xi1>, vector<2x400xf32>
    %mul3A_143 = arith.mulf %get3A_134, %select_n3A_142 : vector<2x400xf32>
    %reduce_sum3A_144 = vector.shape_cast %mul3A_143 : vector<2x400xf32> to vector<1x2x400xf32>
    %reduce_sum3A_145 = arith.constant dense<0.000000e+00> : vector<1xf32>
    %reduce_sum3A_146 = vector.multi_reduction <add>, %reduce_sum3A_144, %reduce_sum3A_145 [1, 2] : vector<1x2x400xf32> to vector<1xf32>
    %reduce_sum3A_147 = vector.shape_cast %reduce_sum3A_146 : vector<1xf32> to vector<1x1x1xf32>
    %reduce_sum3A_148 = vector.extract %reduce_sum3A_147[0, 0, 0] : f32 from vector<1x1x1xf32>
    %reduce_sum3A_149 = vector.shape_cast %select_n3A_142 : vector<2x400xf32> to vector<1x2x400xf32>
    %reduce_sum3A_150 = arith.constant dense<0.000000e+00> : vector<1xf32>
    %reduce_sum3A_151 = vector.multi_reduction <add>, %reduce_sum3A_149, %reduce_sum3A_150 [1, 2] : vector<1x2x400xf32> to vector<1xf32>
    %reduce_sum3A_152 = vector.shape_cast %reduce_sum3A_151 : vector<1xf32> to vector<1x1x1xf32>
    %reduce_sum3A_153 = vector.extract %reduce_sum3A_152[0, 0, 0] : f32 from vector<1x1x1xf32>
    %max3A_154 = arith.constant 1.000000e+00 : f32
    %max3A_155 = arith.maximumf %reduce_sum3A_153, %max3A_154 : f32
    %div3A_156 = arith.divf %reduce_sum3A_148, %max3A_155 : f32
    %add3A_157 = arith.addf %div3A_128, %div3A_156 : f32
    %div3A_158 = arith.constant 2.000000e+00 : f32
    %div3A_159 = arith.divf %add3A_157, %div3A_158 : f32
    %mul3A_160 = arith.constant 5.000000e-01 : f32
    %mul3A_161 = arith.mulf %mul3A_160, %div3A_159 : f32
    %mul3A_162 = arith.constant 1.000000e+00 : f32
    %mul3A_163 = arith.mulf %mul3A_162, %div3A_104 : f32
    %add3A_164 = arith.addf %mul3A_161, %mul3A_163 : f32
    %mul3A_165 = arith.constant 5.000000e-01 : f32
    %mul3A_166 = arith.mulf %mul3A_165, %div3A_72 : f32
    %add3A_167 = arith.addf %add3A_164, %mul3A_166 : f32
    %swap3A = arith.constant 0 : index
    %swap3A_168 = memref.load %arg5[%swap3A] : memref<1xf32, #tpu.memory_space<smem>>
    memref.store %add3A_167, %arg5[%swap3A] : memref<1xf32, #tpu.memory_space<smem>>
    return
  }
}

</mosaic_0001>

<sc_bundles>
// kernel: _detector_loss.4.cloned.1.call-start
scs
__scs_entry_jumppad:
0x0: {  	(pc) =	sbr.rel $0x88, $3  }
0x1: {  	(tag) =	ssettag $0x0;
	lr =	simm.s32 $0x1  }
0x2: {  	[smem:$0x3F92] =	sst lr;
	_ =	strace $0xD0000000  }
0x3: {  	_ = 	snop  }
0x4: {  	_ = 	snop  }
0x5: {  	_ = 	snop  }
0x6: {  	_ = 	snop  }
0x7: {  	_ = 	snop  }
__scs_overlays_trampoline_lowered:
0x8: {  	[smem:$0x3FA1] =	sst s0  }
0x9: {  	[smem:$0x3FA2] =	sst s1  }
0xa: {  	[smem:$0x3FA3] =	sst s2  }
0xb: {  	[smem:$0x3FA4] =	sst s3  }
0xc: {  	[smem:$0x3FA5] =	sst s4  }
0xd: {  	[smem:$0x3FA6] =	sst s5  }
0xe: {  	[smem:$0x3FA7] =	sst s6  }
0xf: {  	[smem:$0x3FA8] =	sst s7  }
0x10: {  	[smem:$0x3FA9] =	sst s8  }
0x11: {  	[smem:$0x3FAA] =	sst s9;
	s0 =	simm.s32 @!p0 $0x0  }
0x12: {  	s1 =	sld [smem:$0x3F90];
	s0 =	simm.s32 @p0 $0x1  }
0x13: {  	[smem:$0x3FAB] =	sst s0;
	s0 =	simm.s32 @!p1 $0x0  }
0x14: {  	s2 =	sld [smem:$0x3F8F];
	s0 =	simm.s32 @p1 $0x1  }
0x15: {  	[smem:$0x3FAC] =	sst s0;
	s0 =	simm.s32 @!p2 $0x0  }
0x16: {  	s3 =	sld [smem:$0x3FDB];
	s0 =	simm.s32 @p2 $0x1  }
0x17: {  	s4 =	simm.s32 $0x1BF5;
	[smem:$0x3FAE] =	sst s0  }
0x18: {  	s0 =	sld [smem:$0x3F91];
	_ =	swait.ge [sflag:s4], $0x0  }
0x19: {  	s7 =	sld [smem:$0x3F92]  }
0x1a: {  	s8 =	sadd.s32 $0xFFFFE003, lr  }
0x1b: {  	s9 =	sadd.s32 $0xFFFFFEF7, lr;
	s5 =	simm.s32 $0xFFFFFFFF;
	p2 =	slt.u32 s8, $0xFFFFF086  }
0x1c: {  	p1 =	slt.u32 s9, $0xF7A;
	s5 =	simm.s32 @!p2 $0x0  }
0x1d: {  	s5 =	simm.s32 @p1 $0x1;
	p0 =	seq.s32 s7, s2  }
0x1e: {  	s7 =	smul.u32 @!p0 $0xF7A, s2;
	p2 =	seq.s32 @!p0 s5, $0x0  }
0x1f: {  	s9 =	smul.u32 $0xF7A, s1;
	s8 =	simm.s32 @!p0 $0x1BF5;
	p2 =	por !p2, p0  }
0x20: {  	[sflag:s8] =	ssyncset.s32 @!p0 $0xFFFFF086;
	s6 =	sadd.s32 @!p0 s3, s7;
	s7 =	simm.s32 @!p0 $0x108  }
0x21: {  	s3 =	sadd.s32 s3, s9;
	s6 =	sadd.s32 @!p0 $0x88, s6;
	s7 =	simm.s32 @p2 $0x1082  }
0x22: {  	[simem:s7], [sflag:s8] =	dma.local @!p0 [hbm:s6], $0xF7A  }
0x23: {  	s9 =	sor.u32 $0xD0000000, s2;
	s6 =	simm.s32 $0x108;
	_ =	swait.ge @!p0 [sflag:s8], $0x0  }
0x24: {  	s3 =	sadd.s32 $0x88, s3;
	s6 =	simm.s32 @!p1 $0x1082;
	[sflag:s4] =	ssyncset.s32 $0xFFFFF086  }
0x25: {  	[simem:s6], [sflag:s4] =	dma.local [hbm:s3], $0xF7A  }
0x26: {  	[smem:$0x3F92] =	sst s1;
	(tag) =	ssettag s2;
	_ =	strace s9  }
0x27: {  	s1 =	sld [smem:$0x3FA2]  }
0x28: {  	s2 =	sld [smem:$0x3FA3]  }
0x29: {  	s4 =	sld [smem:$0x3FA5]  }
0x2a: {  	p0 =	seq.s32 s5, $0x0;
	s5 =	sld [smem:$0x3FA6]  }
0x2b: {  	s6 =	sld [smem:$0x3FA7]  }
0x2c: {  	s7 =	sld [smem:$0x3FA8]  }
0x2d: {  	s3 =	simm.s32 $0x108;
	s8 =	sld [smem:$0x3FA9]  }
0x2e: {  	s3 =	simm.s32 @!p0 $0x1082;
	s9 =	sld [smem:$0x3FAA]  }
0x2f: {  	lr =	sadd.s32 s0, s3;
	s0 =	sld [smem:$0x3FA1]  }
0x30: {  	s3 =	sld [smem:$0x3FA4]  }
0x31: {  	[smem:$0x3FAD] =	sst s10  }
0x32: {  	s10 =	sld [smem:$0x3FAB];
	_ =	sdelay $0x3  }
0x33: {  	p0 =	seq.s32 s10, $0x1;
	s10 =	sld [smem:$0x3FAD];
	_ =	sdelay $0x3  }
0x34: {  	[smem:$0x3FAD] =	sst s10  }
0x35: {  	s10 =	sld [smem:$0x3FAC];
	_ =	sdelay $0x3  }
0x36: {  	p1 =	seq.s32 s10, $0x1;
	s10 =	sld [smem:$0x3FAD];
	_ =	sdelay $0x3  }
0x37: {  	[smem:$0x3FAD] =	sst s10  }
0x38: {  	s10 =	sld [smem:$0x3FAE]  }
0x39: {  	_ = 	snop;
	(pc) =	sbr.ind lr, $3  }
0x3a: {  	_ = 	snop  }
0x3b: {  	_ = 	snop  }
0x3c: {  	p2 =	seq.s32 s10, $0x1;
	s10 =	sld [smem:$0x3FAD]  }
0x3d: {  	_ =	shalt  }
0x3e: {  	_ =	shalt  }
0x3f: {  	_ =	shalt  }
0x40: {  	_ =	shalt  }
0x41: {  	_ =	shalt  }
0x42: {  	_ =	shalt  }
0x43: {  	_ =	shalt  }
0x44: {  	_ =	shalt  }
0x45: {  	_ =	shalt  }
0x46: {  	_ =	shalt  }
0x47: {  	_ =	shalt  }
0x48: {  	_ =	shalt  }
0x49: {  	_ =	shalt  }
0x4a: {  	_ =	shalt  }
0x4b: {  	_ =	shalt  }
0x4c: {  	_ =	shalt  }
0x4d: {  	_ =	shalt  }
0x4e: {  	_ =	shalt  }
0x4f: {  	_ =	shalt  }
0x50: {  	_ =	shalt  }
0x51: {  	_ =	shalt  }
0x52: {  	_ =	shalt  }
0x53: {  	_ =	shalt  }
0x54: {  	_ =	shalt  }
0x55: {  	_ =	shalt  }
0x56: {  	_ =	shalt  }
0x57: {  	_ =	shalt  }
0x58: {  	_ =	shalt  }
0x59: {  	_ =	shalt  }
0x5a: {  	_ =	shalt  }
0x5b: {  	_ =	shalt  }
0x5c: {  	_ =	shalt  }
0x5d: {  	_ =	shalt  }
0x5e: {  	_ =	shalt  }
0x5f: {  	_ =	shalt  }
0x60: {  	_ =	shalt  }
0x61: {  	_ =	shalt  }
0x62: {  	_ =	shalt  }
0x63: {  	_ =	shalt  }
0x64: {  	_ =	shalt  }
0x65: {  	_ =	shalt  }
0x66: {  	_ =	shalt  }
0x67: {  	_ =	shalt  }
0x68: {  	_ =	shalt  }
0x69: {  	_ =	shalt  }
0x6a: {  	_ =	shalt  }
0x6b: {  	_ =	shalt  }
0x6c: {  	_ =	shalt  }
0x6d: {  	_ =	shalt  }
0x6e: {  	_ =	shalt  }
0x6f: {  	_ =	shalt  }
0x70: {  	_ =	shalt  }
0x71: {  	_ =	shalt  }
0x72: {  	_ =	shalt  }
0x73: {  	_ =	shalt  }
0x74: {  	_ =	shalt  }
0x75: {  	_ =	shalt  }
0x76: {  	_ =	shalt  }
0x77: {  	_ =	shalt  }
0x78: {  	_ =	shalt  }
0x79: {  	_ =	shalt  }
0x7a: {  	_ =	shalt  }
0x7b: {  	_ =	shalt  }
0x7c: {  	_ =	shalt  }
0x7d: {  	_ =	shalt  }
0x7e: {  	_ =	shalt  }
0x7f: {  	_ =	shalt  }
0x80: {  	_ =	shalt  }
0x81: {  	_ =	shalt  }
0x82: {  	_ =	shalt  }
0x83: {  	_ =	shalt  }
0x84: {  	_ =	shalt  }
0x85: {  	_ =	shalt  }
0x86: {  	_ =	shalt  }
0x87: {  	_ =	shalt  }
.Lfunc_end0:
.L_simem_size_0:
called_computation_lowered:
.L_overlay_start_0:
0x88: {  	s2 =	sld [smem:$0x3FD9]  }
0x89: {  	s3 =	sld [smem:$0x3FFE];
	_ =	sdelay $0x1  }
0x8a: {  	s1 =	srdreg.scid  }
0x8b: {  	s0 =	sand.u32 $0x1, s1  }
0x8c: {  	s17 =	sshll.u32 s0, $0xA;
	s2 =	sadd.s32 s3, s2  }
0x8d: {  	s2 =	sadd.s32 s2, s17  }
0x8e: {  	[smem:$0x3FB9] =	sst s2  }
0x8f: {  	_ = 	snop  }
0x90: {  	s2 =	sld [smem:$0x3FC9]  }
0x91: {  	s18 =	sld [smem:$0x3FC8]  }
0x92: {  	s4 =	sld [smem:$0x3FC3]  }
0x93: {  	s5 =	sld [smem:$0x3FC2]  }
0x94: {  	s6 =	sld [smem:$0x3FC1]  }
0x95: {  	s7 =	sld [smem:$0x3FC0]  }
0x96: {  	s8 =	sld [smem:$0x3FBF]  }
0x97: {  	s9 =	sld [smem:$0x3FBC]  }
0x98: {  	s10 =	sld [smem:$0x3FBB];
	(tm) =	ssettm $0x1  }
0x99: {  	s11 =	sld [smem:$0x3FFB];
	_ =	sdelay $0x3  }
0x9a: {  	_ =	strace s11  }
0x9b: {  	s11 =	sld [smem:$0x3FFC];
	_ =	sdelay $0x3  }
0x9c: {  	_ =	strace s11  }
0x9d: {  	s11 =	sld [smem:$0x3FFD];
	_ =	sdelay $0x3  }
0x9e: {  	_ =	strace s11  }
0x9f: {  	_ =	strace $0x8FFFFFFF  }
0xa0: {  	s19 =	sld [smem:$0x3FDB];
	_ =	sdelay $0x1  }
0xa1: {  	s12 =	simm.s32 $_scs_section_size  }
0xa2: {  	s13 =	simm.s32 $_size__tile_overlayer_lowered;
	s14 =	simm.s32 $_tile_overlayer_lowered  }
0xa3: {  	s22 =	simm.s32 $0x1BFF;
	s21 =	sshll.u32 s14, $0x1;
	s11 =	sadd.s32 s12, s19  }
0xa4: {  	s15 =	simm.s32 $0x0;
	s20 =	sshll.u32 s13, $0x1;
	s13 =	sadd.s32 s21, s11  }
0xa5: {  	[timem:s15], [sflag:s22] =	dma.local [hbm:s13], s20  }
0xa6: {  	_ =	swait.ge [sflag:s22], s20  }
0xa7: {  	s12 =	ssub.s32 $0x0, s20;
	[sflag:s22] =	ssyncset.done $0x0  }
0xa8: {  	[sflag:s22] =	ssyncadd.s32 s12;
	_ =	sdelay $0x1  }
0xa9: {  	s23 =	simm.s32 $0x1B8B  }
0xaa: {  	_ =	swait.ge [sflag:s23], $0x1  }
0xab: {  	[sflag:s23] =	ssyncset.done $0x0  }
0xac: {  	s25 =	simm.s32 $0x1B8E;
	s24 =	sld [smem:$0x3FFE];
	[sflag:s23] =	ssyncadd.s32 $0xFFFFFFFF  }
0xad: {  	s26 =	simm.s32 $execute0_lowered;
	[smem:$0x3FD2] =	sst s25  }
0xae: {  	s13 =	sshll.u32 s26, $0x1;
	_ =	strace $0x80000046;
	[dreg:$0x1] =	wrdreg $0xFFFFFFFF  }
0xaf: {  	s28 =	simm.s32 $_size_execute0_lowered;
	s11 =	sadd.s32 s11, s13;
	[dreg:$0x0] =	wrdreg $0x0  }
0xb0: {  	s13 =	sshll.u32 s28, $0x1;
	[dreg:$0x2] =	wrdreg s11  }
0xb1: {  	[dreg:$0x3] =	wrdreg s13  }
0xb2: {  	[dreg:$0x4] =	wrdreg $0xC0  }
0xb3: {  	_ =	task [dreg:s15], $0x5FFFF  }
0xb4: {  	[dreg:$0x1] =	wrdreg $0xFFFFFFFF  }
0xb5: {  	[dreg:$0x0] =	wrdreg $0x60  }
0xb6: {  	[dreg:$0x2] =	wrdreg s9  }
0xb7: {  	[dreg:$0x3] =	wrdreg s10  }
0xb8: {  	[dreg:$0x4] =	wrdreg s2  }
0xb9: {  	[dreg:$0x5] =	wrdreg s18  }
0xba: {  	[dreg:$0x6] =	wrdreg s24  }
0xbb: {  	[dreg:$0x7] =	wrdreg s7  }
0xbc: {  	[dreg:$0x8] =	wrdreg s8  }
0xbd: {  	[dreg:$0x9] =	wrdreg s5  }
0xbe: {  	[dreg:$0xa] =	wrdreg s6  }
0xbf: {  	[dreg:$0xb] =	wrdreg s4  }
0xc0: {  	[dreg:$0xc] =	wrdreg $0x9  }
0xc1: {  	_ =	task.clear_ibuf [dreg:s15], $0xDFFFF;
	_ =	strace $0x90000046  }
0xc2: {  	s29 =	simm.s32 $0x9;
	_ =	strace $0x80000048  }
0xc3: {  	_ =	swait.ge [sflag:s29], $0x1  }
0xc4: {  	[sflag:s29] =	ssyncadd.s32 $0xFFFFFFFF  }
0xc5: {  	_ =	strace $0x90000048  }
0xc6: {  	_ =	sfence  }
0xc7: {  	s30 =	sld [smem:$0x0];
	_ =	sdelay $0x2  }
0xc8: {  	s31 =	sshll.u32 s1, $0xD;
	s1 =	sshrl.u32 s1, $0x2  }
0xc9: {  	s3 =	sand.u32 $0x4000, s31;
	s1 =	sadd.s32 s1, s30  }
0xca: {  	s0 =	sor.u32 s3, s0;
	s1 =	sshll.u32 s1, $0x11  }
0xcb: {  	s0 =	sor.u32 s1, s0  }
0xcc: {  	s0 =	sadd.s32 $0x8F2B, s0  }
0xcd: {  	[sflag:s0] =	ssyncadd.remote.s32 $0x1  }
0xce: {  	_ =	sfence.sel $0xFFFF  }
0xcf: {  	[dreg:$0x0] =	wrdreg $0xFFFFFFFF;
	(pc) =	sbr.abs _section_cstart, $3  }
0xd0: {  	[dreg:$0x1] =	wrdreg $0xFFFFFFFF  }
0xd1: {  	_ =	task.clear_ibuf [dreg:s15], $0x2FFFF;
	_ =	strace $0x9FFFFFFF  }
0xd2: {  	(tm) =	ssettm $0x7FFFFFFF  }
0xd3: {  	_ =	shalt  }
tec
execute0_lowered:
.L_overlay_start_1:
0x0: {  	(tag) =	ssettag $0x1  }
0x1: {  	s0 =	rddreg [dreg:$0x4]  }
0x2: {  	s1 =	rddreg [dreg:$0x5]  }
0x3: {  	s2 =	rddreg [dreg:$0x6]  }
0x4: {  	s3 =	rddreg [dreg:$0x9]  }
0x5: {  	s4 =	srdreg.scid;
	s8 =	simm.s32 $0x0;
	s17 =	stileid.u32  }
0x6: {  	s18 =	simm.s32 $0x200;
	s19 =	simm.s32 $0x100;
	s20 =	simm.s32 $0x400  }
0x7: {  	s21 =	simm.s32 $0x500;
	s30 =	simm.s32 $0x2;
	s31 =	simm.s32 $0x4  }
0x8: {  	s28 =	simm.s32 $0x8E00;
	s29 =	simm.s32 $0x8;
	s4 =	sand.u32 $0x1, s4  }
0x9: {  	[smem:$0x7FF] =	sst s8;
	s9 =	sshll.u32 s17, $0x4;
	s12 =	sshll.u32 s17, $0xC  }
0xa: {  	s26 =	sshll.u32 s17, $0x7;
	p0 =	sgt.u32 s17, $0x1;
	s17 =	simm.s32 $0x80  }
0xb: {  	s5 =	sshll.u32 s4, $0x4;
	_ =	strace $0x80000047;
	s7 =	sand.u32 $0x70, s9  }
0xc: {  	s10 =	ssub.s32 $0x2, s4;
	s11 =	sshll.u32 s4, $0xD;
	s23 =	sand.u32 $0x80, s9  }
0xd: {  	s25 =	sshll.u32 s4, $0xE;
	s6 =	sadd.s32 s5, s0;
	s0 =	sadd.s32 s7, s0  }
0xe: {  	s22 =	sshrl.u32 s10, $0x1;
	s11 =	sadd.s32 s12, s11;
	s13 =	sadd.s32 s1, s5  }
0xf: {  	s14 =	sadd.s32 s2, s5;
	s2 =	simm.s32 $0x5;
	s5 =	simm.s32 $0x7  }
0x10: {  	v0 =	vlaneseq.u32;
	v7 =	vimm.f32 $0.0e+00;
	s7 =	ssub.s32 s10, s22;
	s10 =	sadd.s32 s3, s11;
	s11 =	sadd.s32 $0xE00, s6  }
.Ltmp0:
0x11: {  	v1 =	vmov s9;
	v2 =	vor.u32 s9, v0;
	v6 =	vmov s4;
	s12 =	sadd.s32 $0xE20, s6;
	s3 =	sshll.u32 s4, $0x8;
	(pc) =	sbr.rel .LBB2_1-.Ltmp0, $4  }
0x12: {  	v3 =	vshll.u32 v2, $0x1;
	v1 =	vshll.u32 v1, $0x1;
	v6 =	vshll.u32 v6, $0x7;
	s22 =	simm.s32 $0x1;
	s6 =	simm.s32 $0xA00;
	s4 =	simm.s32 $0x0  }
0x13: {  	s24 =	sor.u32 s23, s3;
	s16 =	smax.u32 s7, $0x1;
	s23 =	simm.s32 $0x3;
	v5 =	vor.u32 s3, v2;
	v2 =	vand.u32 $0x7E, v3;
	v3 =	vand.u32 $0x180, v1  }
0x14: {  	v6 =	vbroadcast v6, $0x0;
	v1 =	vmov s25;
	s3 =	simm.s32 $0x6;
	s25 =	simm.s32 $0xC00;
	s0 =	sadd.s32 s24, s0;
	v2 =	vor.u32 v3, v2  }
0x15: {  	s24 =	simm.s32 $0x40;
	v3 =	vmov s26;
	s26 =	simm.s32 $0xE00;
	v5 =	vshll.u32 v5, $0xE;
	s15 =	sadd.s32 $0x1000, s0;
	v4 =	vor.u32 $0x1, v2  }
.LBB2_4:
0x16: {  	v21 =	vnsel vm0, $0xC7, v10  }
0x17: {  	v22 =	vand.u32 $0x7F, v21;
	v21 =	vshll.u32 v21, $0x1  }
0x18: {  	v21 =	vand.u32 $0x100, v21;
	v22 =	vor.u32 v22, v6  }
0x19: {  	v21 =	vor.u32 v21, v22;
	_ =	sdelay $0x4  }
0x1a: {  	v22 =	vld.idx.msk [tilespmem:v21+s6+$0x0], $0xffff  }
0x1b: {  	v15 =	vld.idx.msk [tilespmem:v15+s20+$0x0], $0xffff;
	v47 =	vand.u32 $0x7F, v16;
	v48 =	vsub.s32 v17, v3  }
0x1c: {  	v23 =	vld.idx.msk [tilespmem:v16+s21+$0x0], $0xffff;
	v19 =	vor.u32 v20, v19;
	vm13 =	vlt.u32 v11, $0xC8;
	vm2 =	vgt.s32 v48, $0x0  }
0x1d: {  	v50 =	vshll.u32 v18, $0x3;
	v25 =	vand.u32 $0x7F, v18;
	v49 =	vnsel vm2, $0x0, v48  }
0x1e: {  	vm6 =	vlt.u32 v12, $0x80;
	v16 =	vor.u32 v47, v19;
	v11 =	vmin.u32 v49, $0x7F;
	v21 =	vld.idx.msk [tilespmem:v21+s25+$0x0], $0xffff  }
0x1f: {  	v19 =	vand.u32 $0xFFFFFC00, v50;
	v52 =	vshll.u32 v11, $0x8;
	v24 =	vsub.s32 v22, v3  }
0x20: {  	v11 =	vshll.u32 v11, $0x7;
	vm14 =	vgt.f32 v15, $1.000000010e-01;
	vm3 =	vgt.s32 v24, $0x0  }
0x21: {  	vm15 =	vgt.f32 v23, $1.000000010e-01;
	v23 =	vand.u32 $0x7800, v52;
	v51 =	vnsel vm3, $0x0, v24  }
0x22: {  	v11 =	vand.u32 $0x380, v11;
	v19 =	vadd.s32 v19, v23;
	v15 =	vmin.u32 v51, $0x7F  }
0x23: {  	v55 =	vld.idx.msk [tilespmem:v17+s20+$0x0], $0xffff;
	v11 =	vor.u32 v11, v19;
	v53 =	vshll.u32 v21, $0x3;
	v54 =	vshll.u32 v15, $0x8  }
0x24: {  	v56 =	vld.idx.msk [tilespmem:v18+s21+$0x0], $0xffff;
	v19 =	vand.u32 $0xFFFFFC00, v53;
	v15 =	vshll.u32 v15, $0x7;
	v23 =	vand.u32 $0x7800, v54  }
0x25: {  	v16 =	vld.idx.msk [tilespmem:v16+s26+$0x0], $0xffff;
	v11 =	vor.u32 v25, v11;
	v15 =	vand.u32 $0x380, v15;
	v19 =	vadd.s32 v19, v23  }
0x26: {  	v57 =	vsel vm1, $0x3F800000, v7;
	v58 =	vand.u32 $0x7F, v21;
	v22 =	vld.idx.msk [tilespmem:v22+s20+$0x0], $0xffff;
	v15 =	vor.u32 v15, v19  }
0x27: {  	vm10 =	vlt.u32 v8, $0xC8;
	vm2 =	vmand vm14, vm15;
	v59 =	vld.idx.msk [tilespmem:v21+s21+$0x0], $0xffff;
	v15 =	vor.u32 v58, v15  }
0x28: {  	v14 =	vmul.f32 v57, v14;
	v9 =	vadd.f32 v57, v9;
	vm7 =	vmand vm6, vm2  }
0x29: {  	vm8 =	vgt.f32 v55, $1.000000010e-01;
	vm9 =	vgt.f32 v56, $1.000000010e-01;
	vm0 =	vmand vm13, vm7  }
0x2a: {  	vm11 =	vlt.u32 v48, $0x80;
	v60 =	vsel vm0, $0x3F800000, v7;
	vm0 =	vmand vm8, vm9;
	v11 =	vld.idx.msk [tilespmem:v11+s26+$0x0], $0xffff  }
0x2b: {  	v13 =	vadd.f32 v14, v13;
	vm15 =	vlt.u32 v10, $0xC8;
	vm0 =	vmand vm11, vm0  }
0x2c: {  	v16 =	vmul.f32 v60, v16;
	vm12 =	vgt.f32 v22, $1.000000010e-01;
	vm13 =	vgt.f32 v59, $1.000000010e-01;
	v8 =	vld.idx.msk [tilespmem:v15+s26+$0x0], $0xffff  }
0x2d: {  	vm0 =	vmand vm10, vm0;
	vm14 =	vlt.u32 v24, $0x80;
	vm1 =	vmand vm12, vm13  }
0x2e: {  	v9 =	vadd.f32 v60, v9;
	v61 =	vsel vm0, $0x3F800000, v7;
	vm1 =	vmand vm14, vm1  }
0x2f: {  	v62 =	vadd.f32 v16, v13;
	v11 =	vmul.f32 v61, v11;
	vm0 =	vmand vm15, vm1  }
0x30: {  	v9 =	vadd.f32 v61, v9;
	v63 =	vsel vm0, $0x3F800000, v7  }
0x31: {  	v10 =	vadd.f32 v11, v62;
	v8 =	vmul.f32 v63, v8  }
0x32: {  	v9 =	vadd.f32 v63, v9  }
0x33: {  	v8 =	vadd.f32 v8, v10  }
0x34: {  	[tilespmem:$0x8E50] =	vst v9  }
0x35: {  	[tilespmem:$0x8E40] =	vst v8  }
.LBB2_5:
0x36: {  	s4 =	sadd.s32 $0x1, s4  }
0x37: {  	p1 =	sne.s32 s4, s16  }
.Ltmp1:
0x38: {  	_ = 	snop;
	(pc) =	sbr.rel @!p1 .LBB2_6-.Ltmp1, $4  }
0x39: {  	[hbm4b:s15+s8] =	stream.linear.scatter [tilespmem:s28], [sflag:$0x8], $0x80, $0x38;
	[tilespmem:$0x8E80] =	vst v63  }
0x3a: {  	_ =	swait.ge [sflag:s29], $0x80  }
0x3b: {  	[sflag:s29] =	ssyncset.done $0x0  }
0x3c: {  	[sflag:s29] =	ssyncadd.s32 $0xFFFFFF80  }
.LBB2_1:
0x3d: {  	[tilespmem:$0x8E00] =	vst v7  }
0x3e: {  	[tilespmem:$0x8E10] =	vst v7  }
0x3f: {  	[tilespmem:$0x8E20] =	vst v7  }
0x40: {  	[tilespmem:$0x8E30] =	vst v7  }
0x41: {  	[tilespmem:$0x8E40] =	vst v7  }
0x42: {  	[tilespmem:$0x8E50] =	vst v7  }
0x43: {  	[tilespmem:$0x8E60] =	vst v7  }
0x44: {  	[tilespmem:$0x8E70] =	vst v7;
	s7 =	simm.s32 @!p0 $0x0;
	s0 =	simm.s32 @!p0 $0xE00  }
0x45: {  	[tilespmem:s0], [sflag:$0x5] =	stream.linear.gather @!p0 [hbm4b:s10+s7], $0x8000, $0x38;
	[tilespmem:$0x8E80] =	vst v63  }
0x46: {  	s1 =	rddreg [dreg:$0x7];
	s0 =	simm.s32 @!p0 $0xA00  }
0x47: {  	[tilespmem:s0], [sflag:$0x6] =	stream.linear.gather @!p0 [hbm4b:s1+s7], $0x200, $0x38;
	[tilespmem:$0x8E80] =	vst v63  }
0x48: {  	s0 =	simm.s32 @!p0 $0xC00;
	s1 =	rddreg [dreg:$0x8]  }
0x49: {  	[tilespmem:s0], [sflag:$0x7] =	stream.linear.gather @!p0 [hbm4b:s1+s7], $0x200, $0x38;
	[tilespmem:$0x8E80] =	vst v63  }
0x4a: {  	_ = 	snop  }
0x4b: {  	[tilespmem:s8], [sflag:$0x1] =	stream.strided.gather [hbm4b:s11+s17], $0x200, s18, s17, $0x38;
	[tilespmem:$0x8E80] =	vst v63  }
0x4c: {  	_ = 	snop  }
0x4d: {  	[tilespmem:s18], [sflag:$0x2] =	stream.strided.gather [hbm4b:s12+s17], $0x200, s18, s17, $0x38;
	[tilespmem:$0x8E80] =	vst v63  }
0x4e: {  	_ = 	snop  }
0x4f: {  	[tilespmem:s20], [sflag:$0x3] =	stream.strided.gather [hbm4b:s13+s17], $0x100, s19, s17, $0x38;
	[tilespmem:$0x8E80] =	vst v63  }
0x50: {  	_ = 	snop  }
0x51: {  	[tilespmem:s21], [sflag:$0x4] =	stream.strided.gather [hbm4b:s14+s17], $0x100, s19, s17, $0x38;
	[tilespmem:$0x8E80] =	vst v63  }
0x52: {  	_ =	swait.ge [sflag:s22], $0x200  }
0x53: {  	[sflag:s22] =	ssyncset.done $0x0  }
0x54: {  	[sflag:s22] =	ssyncadd.s32 $0xFFFFFE00  }
0x55: {  	_ =	swait.ge [sflag:s23], $0x100  }
0x56: {  	[sflag:s23] =	ssyncset.done $0x0  }
0x57: {  	[sflag:s23] =	ssyncadd.s32 $0xFFFFFF00  }
0x58: {  	v8 =	vld.idx.msk [tilespmem:v2+s8+$0x0], $0xffff  }
0x59: {  	v9 =	vld.idx.msk [tilespmem:v4+s8+$0x0], $0xffff;
	_ =	sdelay $0x3  }
0x5a: {  	v8 =	vadd.f32 $1.000000000e+00, v8  }
0x5b: {  	v9 =	vadd.f32 $1.000000000e+00, v9  }
0x5c: {  	v8 =	vmul.f32 $6.350000000e+01, v8  }
0x5d: {  	v9 =	vmul.f32 $6.350000000e+01, v9  }
0x5e: {  	v10 =	vtrunc.f32 v8  }
0x5f: {  	v11 =	vtrunc.f32 v9;
	v10 =	vcvt.f32.s32 v10  }
0x60: {  	v11 =	vcvt.f32.s32 v11  }
0x61: {  	v12 =	vcvt.s32.f32 v10;
	vm0 =	vgt.s32 v10, $0x0  }
0x62: {  	v13 =	vcvt.s32.f32 v11;
	vm9 =	vgt.s32 v11, $0x0;
	v38 =	vnsel vm0, $0x0, v10  }
0x63: {  	v39 =	vnsel vm9, $0x0, v11;
	v11 =	vadd.s32 $0x1, v11;
	v10 =	vadd.s32 $0x1, v10  }
0x64: {  	v8 =	vsub.f32 v8, v12;
	v9 =	vsub.f32 v9, v13;
	v13 =	vmin.u32 v39, $0x7F  }
0x65: {  	v12 =	vmin.u32 v38, $0x7F;
	vm10 =	vgt.s32 v11, $0x0;
	v13 =	vshll.u32 v13, $0x7  }
0x66: {  	vm11 =	vgt.s32 v10, $0x0;
	v11 =	vnsel vm10, $0x0, v11;
	[tilespmem:$0x600] =	vst v8;
	v41 =	vor.u32 v5, v13  }
0x67: {  	v8 =	vnsel vm11, $0x0, v10;
	[tilespmem:$0x680] =	vst v9;
	v47 =	vor.u32 v1, v13;
	v43 =	vor.u32 v12, v41  }
0x68: {  	v40 =	vmin.u32 v11, $0x7F;
	v8 =	vmin.u32 v8, $0x7F;
	v48 =	vor.u32 v12, v47;
	[tilespmem:$0x700] =	vst v43  }
0x69: {  	v42 =	vshll.u32 v40, $0x7;
	v44 =	vor.u32 v8, v41;
	[tilespmem:$0x780] =	vst v48  }
0x6a: {  	v14 =	vor.u32 v5, v42;
	v49 =	vor.u32 v8, v47;
	[tilespmem:$0x710] =	vst v44  }
0x6b: {  	v45 =	vor.u32 v12, v14;
	[tilespmem:$0x790] =	vst v49  }
0x6c: {  	v9 =	vor.u32 v1, v42;
	v46 =	vor.u32 v8, v14;
	[tilespmem:$0x720] =	vst v45  }
0x6d: {  	v50 =	vor.u32 v12, v9;
	[tilespmem:$0x730] =	vst v46  }
0x6e: {  	v8 =	vor.u32 v8, v9;
	[tilespmem:$0x7A0] =	vst v50  }
0x6f: {  	s1 =	simm.s32 $0x700;
	s7 =	simm.s32 $0x800;
	s0 =	rddreg [dreg:$0x0];
	[tilespmem:$0x7B0] =	vst v8  }
0x70: {  	[tilespmem:s7], [sflag:$0x1] =	stream.indirect.gather [hbm4b:s0+s24], $0x1, s1, s24, $0xb8;
	[tilespmem:$0x8E80] =	vst v63  }
0x71: {  	s0 =	rddreg [dreg:$0x3];
	s1 =	simm.s32 $0x780;
	s7 =	simm.s32 $0x900  }
0x72: {  	[tilespmem:s7], [sflag:$0x3] =	stream.indirect.gather [hbm4b:s0+s24], $0x1, s1, s24, $0xb8;
	[tilespmem:$0x8E80] =	vst v63  }
0x73: {  	_ =	swait.ge [sflag:s30], $0x200  }
0x74: {  	[sflag:s30] =	ssyncset.done $0x0  }
0x75: {  	[sflag:s30] =	ssyncadd.s32 $0xFFFFFE00  }
0x76: {  	_ =	swait.ge [sflag:s31], $0x100  }
0x77: {  	[sflag:s31] =	ssyncset.done $0x0  }
0x78: {  	[sflag:s31] =	ssyncadd.s32 $0xFFFFFF00  }
0x79: {  	v8 =	vld.idx.msk [tilespmem:v2+s18+$0x0], $0xffff  }
0x7a: {  	v51 =	vld.idx.msk [tilespmem:v4+s18+$0x0], $0xffff;
	_ =	sdelay $0x3  }
0x7b: {  	v8 =	vadd.f32 $1.000000000e+00, v8  }
0x7c: {  	v9 =	vadd.f32 $1.000000000e+00, v51  }
0x7d: {  	v8 =	vmul.f32 $6.350000000e+01, v8  }
0x7e: {  	v9 =	vmul.f32 $6.350000000e+01, v9  }
0x7f: {  	v52 =	vtrunc.f32 v8  }
0x80: {  	v53 =	vtrunc.f32 v9;
	v10 =	vcvt.f32.s32 v52  }
0x81: {  	v11 =	vcvt.f32.s32 v53  }
0x82: {  	v54 =	vcvt.s32.f32 v10;
	vm12 =	vgt.s32 v10, $0x0  }
0x83: {  	v55 =	vcvt.s32.f32 v11;
	vm13 =	vgt.s32 v11, $0x0;
	v56 =	vnsel vm12, $0x0, v10  }
0x84: {  	v57 =	vnsel vm13, $0x0, v11;
	v11 =	vadd.s32 $0x1, v11;
	v10 =	vadd.s32 $0x1, v10  }
0x85: {  	v8 =	vsub.f32 v8, v54;
	v9 =	vsub.f32 v9, v55;
	v13 =	vmin.u32 v57, $0x7F  }
0x86: {  	v12 =	vmin.u32 v56, $0x7F;
	vm14 =	vgt.s32 v11, $0x0;
	v13 =	vshll.u32 v13, $0x7  }
0x87: {  	vm15 =	vgt.s32 v10, $0x0;
	v11 =	vnsel vm14, $0x0, v11;
	[tilespmem:$0x610] =	vst v8;
	v59 =	vor.u32 v5, v13  }
0x88: {  	v8 =	vnsel vm15, $0x0, v10;
	[tilespmem:$0x690] =	vst v9;
	v17 =	vor.u32 v1, v13;
	v61 =	vor.u32 v12, v59  }
0x89: {  	v58 =	vmin.u32 v11, $0x7F;
	v8 =	vmin.u32 v8, $0x7F;
	v18 =	vor.u32 v12, v17;
	[tilespmem:$0x740] =	vst v61  }
0x8a: {  	v60 =	vshll.u32 v58, $0x7;
	v63 =	vor.u32 v8, v59;
	[tilespmem:$0x7C0] =	vst v18  }
0x8b: {  	v62 =	vor.u32 v5, v60;
	v19 =	vor.u32 v8, v17;
	[tilespmem:$0x750] =	vst v63  }
0x8c: {  	v15 =	vor.u32 v12, v62;
	[tilespmem:$0x7D0] =	vst v19  }
0x8d: {  	v9 =	vor.u32 v1, v60;
	v16 =	vor.u32 v8, v62;
	[tilespmem:$0x760] =	vst v15  }
0x8e: {  	v20 =	vor.u32 v12, v9;
	[tilespmem:$0x770] =	vst v16  }
0x8f: {  	v8 =	vor.u32 v8, v9;
	[tilespmem:$0x7E0] =	vst v20  }
0x90: {  	s1 =	simm.s32 $0x740;
	s7 =	simm.s32 $0x880;
	s0 =	rddreg [dreg:$0x1];
	[tilespmem:$0x7F0] =	vst v8  }
0x91: {  	[tilespmem:s7], [sflag:$0x2] =	stream.indirect.gather [hbm4b:s0+s24], $0x1, s1, s24, $0xb8;
	[tilespmem:$0x8E80] =	vst v63  }
0x92: {  	s0 =	rddreg [dreg:$0x2];
	s1 =	simm.s32 $0x7C0;
	s7 =	simm.s32 $0x980  }
0x93: {  	[tilespmem:s7], [sflag:$0x4] =	stream.indirect.gather [hbm4b:s0+s24], $0x1, s1, s24, $0xb8;
	[tilespmem:$0x8E80] =	vst v63  }
0x94: {  	_ =	swait.ge [sflag:s22], $0x40  }
0x95: {  	[sflag:s22] =	ssyncset.done $0x0  }
0x96: {  	[sflag:s22] =	ssyncadd.s32 $0xFFFFFFC0  }
0x97: {  	_ =	swait.ge [sflag:s23], $0x40  }
0x98: {  	[sflag:s23] =	ssyncset.done $0x0  }
0x99: {  	[sflag:s23] =	ssyncadd.s32 $0xFFFFFFC0  }
0x9a: {  	v8 =	vld [tilespmem:$0x800]  }
0x9b: {  	v21 =	vld [tilespmem:$0x810];
	_ =	sdelay $0x1  }
0x9c: {  	v22 =	vld [tilespmem:$0x820]  }
0x9d: {  	v23 =	vld [tilespmem:$0x830]  }
0x9e: {  	v8 =	vadd.f32 $-1.000000000e+00, v8  }
0x9f: {  	v9 =	vadd.f32 $-1.000000000e+00, v21  }
0xa0: {  	v8 =	vmul.f32 $1.000000000e+01, v8  }
0xa1: {  	v10 =	vadd.f32 $-1.000000000e+00, v22;
	v9 =	vmul.f32 $1.000000000e+01, v9  }
0xa2: {  	v11 =	vadd.f32 $-1.000000000e+00, v23;
	v8 =	vmul.f32 $1.442695020e+00, v8  }
0xa3: {  	v10 =	vmul.f32 $1.000000000e+01, v10;
	v9 =	vmul.f32 $1.442695020e+00, v9  }
0xa4: {  	v24 =	vld [tilespmem:$0x680];
	v26 =	vmul.f32 $1.000000000e+01, v11;
	(erf) = vpow2.f32 v8  }
0xa5: {  	v25 =	vmul.f32 $1.442695020e+00, v10;
	v8 =	vld [tilespmem:$0x600];
	(erf) = vpow2.f32 v9;
	_ =	sdelay $0x1  }
0xa6: {  	v27 =	vmul.f32 $1.442695020e+00, v26;
	(erf) = vpow2.f32 v25;
	_ =	sdelay $0x1  }
0xa7: {  	v30 =	vld [tilespmem:$0x900];
	(erf) = vpow2.f32 v27  }
0xa8: {  	v29 =	vsub.f32 $1.000000000e+00, v24;
	v28 =	vsub.f32 $1.000000000e+00, v8  }
0xa9: {  	v32 =	vld [tilespmem:$0x910]  }
0xaa: {  	v31 =	vmul.f32 v29, v28  }
0xab: {  	v16 =	vld [tilespmem:$0x920];
	v11 =	vmul.f32 v29, v8;
	v15 =	vpop (erf)  }
0xac: {  	v9 =	vmul.f32 v30, v31;
	v15 =	vmul.f32 v15, v31;
	v33 =	vpop (erf)  }
0xad: {  	v17 =	vld [tilespmem:$0x930];
	v10 =	vmul.f32 v28, v24;
	v13 =	vmul.f32 v33, v11  }
0xae: {  	v9 =	vadd.f32 $0.0e+00, v9;
	v11 =	vmul.f32 v32, v11;
	v34 =	vpop (erf);
	v15 =	vadd.f32 $0.0e+00, v15  }
0xaf: {  	v8 =	vmul.f32 v24, v8;
	v14 =	vmul.f32 v34, v10  }
0xb0: {  	v10 =	vmul.f32 v16, v10;
	v36 =	vpop (erf);
	v9 =	vadd.f32 v11, v9;
	v13 =	vadd.f32 v13, v15  }
0xb1: {  	v37 =	vld [tilespmem:s9+$0x400];
	v38 =	vmul.f32 v36, v8  }
0xb2: {  	v8 =	vmul.f32 v17, v8;
	v9 =	vadd.f32 v10, v9;
	v35 =	vadd.f32 v14, v13;
	_ =	sdelay $0x1  }
0xb3: {  	v8 =	vadd.f32 v8, v9;
	v10 =	vadd.f32 v38, v35;
	_ =	sdelay $0x1  }
0xb4: {  	v8 =	vmul.f32 v8, v37;
	v39 =	vsub.f32 $1.000000000e+00, v10;
	_ =	sdelay $0x1  }
0xb5: {  	v9 =	vmul.f32 v39, v8  }
0xb6: {  	[tilespmem:$0x8E10] =	vst v8  }
0xb7: {  	[tilespmem:$0x8E00] =	vst v9  }
0xb8: {  	_ =	swait.ge [sflag:s30], $0x40  }
0xb9: {  	[sflag:s30] =	ssyncset.done $0x0  }
0xba: {  	[sflag:s30] =	ssyncadd.s32 $0xFFFFFFC0  }
0xbb: {  	_ =	swait.ge [sflag:s31], $0x40  }
0xbc: {  	[sflag:s31] =	ssyncset.done $0x0  }
0xbd: {  	[sflag:s31] =	ssyncadd.s32 $0xFFFFFFC0  }
0xbe: {  	v8 =	vld [tilespmem:$0x880]  }
0xbf: {  	v40 =	vld [tilespmem:$0x890];
	_ =	sdelay $0x1  }
0xc0: {  	v41 =	vld [tilespmem:$0x8A0]  }
0xc1: {  	v42 =	vld [tilespmem:$0x8B0]  }
0xc2: {  	v8 =	vadd.f32 $-1.000000000e+00, v8  }
0xc3: {  	v9 =	vadd.f32 $-1.000000000e+00, v40  }
0xc4: {  	v8 =	vmul.f32 $1.000000000e+01, v8  }
0xc5: {  	v10 =	vadd.f32 $-1.000000000e+00, v41;
	v9 =	vmul.f32 $1.000000000e+01, v9  }
0xc6: {  	v11 =	vadd.f32 $-1.000000000e+00, v42;
	v8 =	vmul.f32 $1.442695020e+00, v8  }
0xc7: {  	v10 =	vmul.f32 $1.000000000e+01, v10;
	v9 =	vmul.f32 $1.442695020e+00, v9  }
0xc8: {  	v43 =	vld [tilespmem:$0x690];
	v45 =	vmul.f32 $1.000000000e+01, v11;
	(erf) = vpow2.f32 v8  }
0xc9: {  	v44 =	vmul.f32 $1.442695020e+00, v10;
	v8 =	vld [tilespmem:$0x610];
	(erf) = vpow2.f32 v9;
	_ =	sdelay $0x1  }
0xca: {  	v46 =	vmul.f32 $1.442695020e+00, v45;
	(erf) = vpow2.f32 v44;
	_ =	sdelay $0x1  }
0xcb: {  	v49 =	vld [tilespmem:$0x980];
	(erf) = vpow2.f32 v46  }
0xcc: {  	v48 =	vsub.f32 $1.000000000e+00, v43;
	v47 =	vsub.f32 $1.000000000e+00, v8  }
0xcd: {  	v51 =	vld [tilespmem:$0x990]  }
0xce: {  	v50 =	vmul.f32 v48, v47  }
0xcf: {  	v53 =	vld [tilespmem:$0x9A0];
	v11 =	vmul.f32 v48, v8;
	v52 =	vpop (erf)  }
0xd0: {  	v9 =	vmul.f32 v49, v50;
	v15 =	vmul.f32 v52, v50;
	v54 =	vpop (erf)  }
0xd1: {  	v57 =	vld [tilespmem:$0x9B0];
	v10 =	vmul.f32 v47, v43;
	v56 =	vmul.f32 v54, v11  }
0xd2: {  	v18 =	vpop (erf);
	v11 =	vmul.f32 v51, v11;
	v9 =	vadd.f32 $0.0e+00, v9;
	v55 =	vadd.f32 $0.0e+00, v15  }
0xd3: {  	v8 =	vmul.f32 v43, v8;
	v58 =	vmul.f32 v18, v10  }
0xd4: {  	v10 =	vmul.f32 v53, v10;
	v60 =	vpop (erf);
	v9 =	vadd.f32 v11, v9;
	v13 =	vadd.f32 v56, v55  }
0xd5: {  	v61 =	vld [tilespmem:s9+$0x500];
	v62 =	vmul.f32 v60, v8  }
0xd6: {  	v8 =	vmul.f32 v57, v8;
	v9 =	vadd.f32 v10, v9;
	v59 =	vadd.f32 v58, v13;
	_ =	sdelay $0x1  }
0xd7: {  	v8 =	vadd.f32 v8, v9;
	v10 =	vadd.f32 v62, v59;
	_ =	sdelay $0x1  }
.Ltmp2:
0xd8: {  	v8 =	vmul.f32 v8, v61;
	v63 =	vsub.f32 $1.000000000e+00, v10;
	(pc) =	sbr.rel @p0 .LBB2_5-.Ltmp2, $4  }
0xd9: {  	_ = 	snop  }
0xda: {  	v9 =	vmul.f32 v63, v8  }
0xdb: {  	[tilespmem:$0x8E30] =	vst v8  }
0xdc: {  	[tilespmem:$0x8E20] =	vst v9  }
0xdd: {  	s0 =	simm.s32 $0x0  }
0xde: {  	v13 =	vor.u32 s0, v0  }
0xdf: {  	_ =	swait.ge [sflag:s2], $0x8000;
	vm0 =	vlt.s32 v13, $0xC7  }
0xe0: {  	[sflag:s2] =	ssyncset.done $0x0;
	v8 =	vnsel vm0, $0xC7, v13  }
0xe1: {  	[sflag:s2] =	ssyncadd.s32 $0xFFFF8000;
	v9 =	vand.u32 $0x7F, v8;
	v8 =	vshll.u32 v8, $0x1  }
0xe2: {  	_ =	swait.ge [sflag:s3], $0x200;
	v8 =	vand.u32 $0x100, v8;
	v9 =	vor.u32 v9, v6  }
0xe3: {  	[sflag:s3] =	ssyncset.done $0x0;
	v8 =	vor.u32 v8, v9  }
0xe4: {  	[sflag:s3] =	ssyncadd.s32 $0xFFFFFE00  }
0xe5: {  	_ =	swait.ge [sflag:s5], $0x200  }
0xe6: {  	s7 =	simm.s32 $0x10;
	[sflag:s5] =	ssyncset.done $0x0  }
0xe7: {  	v11 =	vor.u32 s7, v0;
	[sflag:s5] =	ssyncadd.s32 $0xFFFFFE00  }
0xe8: {  	vm0 =	vlt.s32 v11, $0xC7;
	v10 =	vld.idx.msk [tilespmem:v8+s6+$0x0], $0xffff  }
0xe9: {  	v9 =	vnsel vm0, $0xC7, v11  }
0xea: {  	v12 =	vand.u32 $0x7F, v9;
	v9 =	vshll.u32 v9, $0x1  }
0xeb: {  	v9 =	vand.u32 $0x100, v9;
	v12 =	vor.u32 v12, v6;
	v14 =	vld.idx.msk [tilespmem:v8+s25+$0x0], $0xffff  }
0xec: {  	v12 =	vor.u32 v9, v12  }
0xed: {  	v17 =	vsub.s32 v10, v3  }
0xee: {  	vm0 =	vgt.s32 v17, $0x0  }
0xef: {  	v8 =	vnsel vm0, $0x0, v17  }
0xf0: {  	v18 =	vshll.u32 v14, $0x3;
	v16 =	vmin.u32 v8, $0x7F  }
0xf1: {  	s1 =	simm.s32 $0x20;
	vm2 =	vlt.u32 v13, $0xC8;
	v15 =	vld.idx.msk [tilespmem:v12+s6+$0x0], $0xffff;
	v18 =	vand.u32 $0xFFFFFC00, v18;
	v19 =	vshll.u32 v16, $0x8  }
0xf2: {  	v8 =	vor.u32 s1, v0;
	v20 =	vshll.u32 v16, $0x7;
	v19 =	vand.u32 $0x7800, v19  }
0xf3: {  	vm0 =	vlt.s32 v8, $0xC7;
	v16 =	vld.idx.msk [tilespmem:v12+s25+$0x0], $0xffff;
	v12 =	vadd.s32 v18, v19;
	v18 =	vand.u32 $0x380, v20  }
0xf4: {  	v19 =	vand.u32 $0x7F, v14;
	v12 =	vor.u32 v18, v12;
	v18 =	vld.idx.msk [tilespmem:v10+s20+$0x0], $0xffff;
	v10 =	vnsel vm0, $0xC7, v8  }
0xf5: {  	v14 =	vld.idx.msk [tilespmem:v14+s21+$0x0], $0xffff;
	v19 =	vor.u32 v19, v12;
	v12 =	vand.u32 $0x7F, v10;
	v10 =	vshll.u32 v10, $0x1  }
0xf6: {  	s7 =	simm.s32 $0x30;
	v20 =	vand.u32 $0x100, v10;
	v21 =	vor.u32 v12, v6;
	v12 =	vsub.s32 v15, v3  }
0xf7: {  	v10 =	vor.u32 s7, v0;
	v20 =	vor.u32 v20, v21;
	vm1 =	vgt.s32 v12, $0x0  }
0xf8: {  	v9 =	vimm.f32 $0.0e+00;
	vm0 =	vlt.s32 v10, $0xC7;
	v13 =	vnsel vm1, $0x0, v12  }
0xf9: {  	v21 =	vshll.u32 v16, $0x3;
	vm1 =	vlt.u32 v17, $0x80;
	v13 =	vmin.u32 v13, $0x7F  }
0xfa: {  	vm4 =	vgt.f32 v14, $1.000000010e-01;
	vm3 =	vgt.f32 v18, $1.000000010e-01;
	v17 =	vshll.u32 v13, $0x8;
	v14 =	vld.idx.msk [tilespmem:v19+s26+$0x0], $0xffff  }
0xfb: {  	v18 =	vand.u32 $0xFFFFFC00, v21;
	vm3 =	vmand vm3, vm4;
	v19 =	vand.u32 $0x7800, v17  }
0xfc: {  	v13 =	vshll.u32 v13, $0x7;
	vm1 =	vmand vm1, vm3;
	v17 =	vld.idx.msk [tilespmem:v20+s6+$0x0], $0xffff;
	v19 =	vadd.s32 v18, v19  }
0xfd: {  	s7 =	simm.s32 $0x40;
	v18 =	vld.idx.msk [tilespmem:v20+s25+$0x0], $0xffff;
	v20 =	vand.u32 $0x380, v13;
	vm1 =	vmand vm2, vm1;
	v13 =	vimm.f32 $0.0e+00  }
.LBB2_3:
0xfe: {  	p1 =	sne.s32 s7, $0xC0;
	v21 =	vand.u32 $0x7F, v16;
	v19 =	vor.u32 v20, v19;
	v20 =	vld.idx.msk [tilespmem:v15+s20+$0x0], $0xffff;
	v15 =	vsel vm1, $0x3F800000, v7  }
0xff: {  	v22 =	vnsel vm0, $0xC7, v10;
	v19 =	vor.u32 v21, v19;
	v21 =	vld.idx.msk [tilespmem:v16+s21+$0x0], $0xffff;
	v14 =	vmul.f32 v15, v14  }
0x100: {  	v25 =	vand.u32 $0x7F, v22;
	v22 =	vshll.u32 v22, $0x1;
	v9 =	vadd.f32 v15, v9  }
0x101: {  	v22 =	vand.u32 $0x100, v22;
	v24 =	vor.u32 v25, v6;
	v13 =	vadd.f32 v14, v13;
	v15 =	vmovc v17  }
0x102: {  	v16 =	vmovc v18;
	v17 =	vor.u32 s7, v0;
	v22 =	vor.u32 v22, v24;
	v23 =	vsub.s32 v15, v3  }
0x103: {  	vm2 =	vlt.u32 v11, $0xC8;
	v11 =	vmovc v8;
	v8 =	vmovc v10;
	vm0 =	vlt.s32 v17, $0xC7;
	vm1 =	vgt.s32 v23, $0x0  }
.Ltmp3:
0x104: {  	v24 =	vshll.u32 v16, $0x3;
	v10 =	vmovc v17;
	v18 =	vnsel vm1, $0x0, v23;
	vm1 =	vlt.u32 v12, $0x80;
	v14 =	vld.idx.msk [tilespmem:v19+s26+$0x0], $0xffff;
	v12 =	vmovc v23;
	(pc) =	sbr.rel @p1 .LBB2_3-.Ltmp3, $4  }
0x105: {  	vm3 =	vgt.f32 v20, $1.000000010e-01;
	vm4 =	vgt.f32 v21, $1.000000010e-01;
	v18 =	vmin.u32 v18, $0x7F  }
0x106: {  	v20 =	vand.u32 $0xFFFFFC00, v24;
	vm3 =	vmand vm3, vm4;
	v19 =	vshll.u32 v18, $0x8  }
0x107: {  	v21 =	vshll.u32 v18, $0x7;
	vm1 =	vmand vm1, vm3;
	v17 =	vld.idx.msk [tilespmem:v22+s6+$0x0], $0xffff;
	v19 =	vand.u32 $0x7800, v19  }
0x108: {  	s7 =	sadd.s32 $0x10, s7;
	vm1 =	vmand vm2, vm1;
	v18 =	vld.idx.msk [tilespmem:v22+s25+$0x0], $0xffff;
	v19 =	vadd.s32 v20, v19;
	v20 =	vand.u32 $0x380, v21  }
.Ltmp4:
0x109: {  	_ = 	snop;
	(pc) =	sbr.rel .LBB2_4-.Ltmp4, $1  }
0x10a: {  	_ =	sdelay $0x3  }
.LBB2_6:
0x10b: {  	_ =	sfence.sel $0x180000  }
0x10c: {  	[bflag:$0x0] =	sbarrier.arrive $0xFFFF  }
0x10d: {  	_ =	strace $0x90000047  }
0x10e: {  	s0 =	stileid.u32;
	[bflag:$0x2] =	sbarrier.arrive $0xFFFF  }
0x10f: {  	p0 =	sne.s32 s0, $0x0;
	s0 =	rddreg [dreg:$0xa]  }
0x110: {  	s0 =	sadd.s32 @!p0 $0x100000, s0  }
0x111: {  	[sflag:s0] =	ssyncadd.tile.s32 @!p0 $0x1;
	_ =	shalt  }
.Lfunc_end2:
_tile_overlayer_lowered:
.L_overlay_start_2:
0x112: {  	(tag) =	ssettag $0x2  }
0x113: {  	s0 =	rddreg [dreg:$0x0];
	s2 =	stileid.u32  }
0x114: {  	s1 =	rddreg [dreg:$0x1];
	p0 =	sne.s32 s2, $0x0  }
0x115: {  	s3 =	rddreg [dreg:$0x2];
	[bflag:$0x3] =	sbarrier.arrive $0xFFFF;
	s2 =	simm.s32 @!p0 $0x1C08  }
0x116: {  	[timem:s3], [sflag:s2] =	dma.local @!p0 [hbm:s0], s1  }
0x117: {  	s0 =	simm.s32 @!p0 $0x8  }
0x118: {  	_ =	swait.ge @!p0 [sflag:s0], s1  }
0x119: {  	s1 =	ssub.s32 @!p0 $0x0, s1;
	[sflag:s0] =	ssyncset.done @!p0 $0x0  }
0x11a: {  	[sflag:s0] =	ssyncadd.s32 @!p0 s1  }
0x11b: {  	[bflag:$0x3] =	sbarrier.arrive $0xFFFF  }
0x11c: {  	_ =	shalt  }

</sc_bundles>
